<compile_context>
chip_gen: v7x
topology: tpu7x:2x2x1
jax: 0.10.2.dev20260603
libtpu: 0.0.44.dev20260713+nightly
codegen_flags: <defaults>
</compile_context>

<pallas_src>
import functools

import jax
import jax.numpy as jnp
import numpy as np
from jax import lax
from jax.experimental import pallas as pl
from jax.experimental.pallas import tpu as pltpu
from jax.experimental.pallas import tpu_sc as plsc

N_NODES = 10000
D_IN = 128
D_OUT = 128

_NC = 2
_NS = 16
_PPW = 4
_LANES = 16
_CHUNK = 2000
_NBLK = 2048



def _prep_body(nf_ref, w_ref, ei_ref, hp_ref, rc_ref):
    hT = lax.dot_general(
        w_ref[...], nf_ref[...],
        dimension_numbers=(((0,), (1,)), ((), ())),
        preferred_element_type=jnp.float32,
    )
    lo = lax.bitcast_convert_type(hT[: D_OUT // 2, :], jnp.uint32)
    hi = lax.bitcast_convert_type(hT[D_OUT // 2 :, :], jnp.uint32)
    half = jnp.uint32(0x8000)
    lo16 = (lo + half) >> 16
    hi16 = ((hi + half) >> 16) << 16
    hp_ref[...] = lax.bitcast_convert_type(lo16 | hi16, jnp.int32)
    rc_ref[...] = ei_ref[0, :] | (ei_ref[1, :] << 16)


def _prep(node_f, W, edge_index):
    n = node_f.shape[0]
    e = edge_index.shape[1]
    grid = pl.cdiv(n, _NBLK)
    eblk = 1024 * pl.cdiv(e, 1024 * grid)
    return pl.pallas_call(
        _prep_body,
        grid=(grid,),
        in_specs=[
            pl.BlockSpec((_NBLK, D_IN), lambda i: (i, 0)),
            pl.BlockSpec((D_IN, D_OUT), lambda i: (0, 0)),
            pl.BlockSpec((2, eblk), lambda i: (0, i)),
        ],
        out_specs=[
            pl.BlockSpec((D_OUT // 2, _NBLK), lambda i: (0, i)),
            pl.BlockSpec((eblk,), lambda i: (i,)),
        ],
        out_shape=[
            jax.ShapeDtypeStruct((D_OUT // 2, n), jnp.int32),
            jax.ShapeDtypeStruct((e,), jnp.int32),
        ],
    )(node_f, W, edge_index)



def _spmm_body(hP_hbm, rc_hbm, val_hbm, out_hbm,
               hp0, hp1, hp2, hp3,
               o0, o1, o2, o3, o4, o5, o6, o7,
               rb0, vb0, rb1, vb1, sem0, sem1):
    hp_bufs = (hp0, hp1, hp2, hp3)
    o_bufs = ((o0, o1), (o2, o3), (o4, o5), (o6, o7))
    ebufs = ((rb0, vb0), (rb1, vb1))
    sems = (sem0, sem1)

    n_edges = rc_hbm.shape[0]
    half_edges = n_edges // _NC
    n_chunks = half_edges // _CHUNK
    groups_per_chunk = _CHUNK // _LANES

    sid = lax.axis_index("s")
    cid = lax.axis_index("c")
    row_base = sid * _PPW
    edge_base = cid * half_edges

    for j in range(_PPW):
        pltpu.async_copy(hP_hbm.at[row_base + j], hp_bufs[j], sem0)

    zeros16 = jnp.zeros((_LANES,), jnp.float32)

    @plsc.parallel_loop(0, N_NODES // _LANES, unroll=8)
    def _zero(i):
        off = pl.multiple_of(i * _LANES, _LANES)
        for j in range(_PPW):
            for k in range(2):
                o_bufs[j][k][pl.ds(off, _LANES)] = zeros16

    for j in range(_PPW):
        pltpu.make_async_copy(hP_hbm.at[row_base + j], hp_bufs[j], sem0).wait()

    def _issue(g, slot):
        base = pl.multiple_of(edge_base + g * _CHUNK, 8)
        rb, vb = ebufs[slot]
        sem = sems[slot]
        pltpu.async_copy(rc_hbm.at[pl.ds(base, _CHUNK)], rb, sem)
        pltpu.async_copy(val_hbm.at[pl.ds(base, _CHUNK)], vb, sem)

    def _drain(g, slot):
        base = pl.multiple_of(edge_base + g * _CHUNK, 8)
        rb, vb = ebufs[slot]
        sem = sems[slot]
        pltpu.make_async_copy(rc_hbm.at[pl.ds(base, _CHUNK)], rb, sem).wait()
        pltpu.make_async_copy(val_hbm.at[pl.ds(base, _CHUNK)], vb, sem).wait()

    mask16 = jnp.full((_LANES,), 0xFFFF, jnp.int32)

    def _process(slot):
        rb, vb = ebufs[slot]

        @plsc.parallel_loop(0, groups_per_chunk, unroll=4)
        def _groups(i):
            off = pl.multiple_of(i * _LANES, _LANES)
            rc16 = rb[pl.ds(off, _LANES)]
            v16 = vb[pl.ds(off, _LANES)]
            r16 = rc16 & mask16
            c16 = lax.shift_right_logical(rc16, 16)
            for j in range(_PPW):
                g = plsc.load_gather(hp_bufs[j], [c16])
                x_lo = plsc.bitcast(lax.shift_left(g, 16), jnp.float32)
                x_hi = plsc.bitcast(g, jnp.float32)
                plsc.addupdate_scatter(o_bufs[j][0], [r16], x_lo * v16)
                plsc.addupdate_scatter(o_bufs[j][1], [r16], x_hi * v16)

    n_pairs = n_chunks // 2
    _issue(0, 0)
    _issue(1, 1)

    def pair_body(p, carry):
        g0 = p * 2
        _drain(g0, 0)
        _process(0)

        @pl.when(g0 + 2 < n_chunks)
        def _issue0():
            _issue(g0 + 2, 0)

        _drain(g0 + 1, 1)
        _process(1)

        @pl.when(g0 + 3 < n_chunks)
        def _issue1():
            _issue(g0 + 3, 1)

        return carry

    lax.fori_loop(0, n_pairs, pair_body, 0)

    for j in range(_PPW):
        pltpu.sync_copy(o_bufs[j][0], out_hbm.at[cid, row_base + j])
        pltpu.sync_copy(o_bufs[j][1],
                        out_hbm.at[cid, D_OUT // 2 + row_base + j])


def _spmm(hP, rc, val):
    mesh = plsc.VectorSubcoreMesh(core_axis_name="c", subcore_axis_name="s")
    f = pl.kernel(
        _spmm_body,
        out_type=jax.ShapeDtypeStruct((_NC, D_OUT, N_NODES), jnp.float32),
        mesh=mesh,
        compiler_params=pltpu.CompilerParams(needs_layout_passes=False),
        scratch_types=(
            [pltpu.VMEM((N_NODES,), jnp.int32) for _ in range(_PPW)]
            + [pltpu.VMEM((N_NODES,), jnp.float32) for _ in range(2 * _PPW)]
            + [
                pltpu.VMEM((_CHUNK,), jnp.int32),
                pltpu.VMEM((_CHUNK,), jnp.float32),
                pltpu.VMEM((_CHUNK,), jnp.int32),
                pltpu.VMEM((_CHUNK,), jnp.float32),
                pltpu.SemaphoreType.DMA,
                pltpu.SemaphoreType.DMA,
            ]
        ),
    )
    return f(hP, rc, val)



def _sum_t_body(p_ref, eye_ref, out_ref):
    s = p_ref[0] + p_ref[1]
    out_ref[...] = lax.dot_general(
        s, eye_ref[...],
        dimension_numbers=(((0,), (0,)), ((), ())),
        preferred_element_type=jnp.float32,
    )


def _sum_transpose(partials):
    n = partials.shape[2]
    grid = pl.cdiv(n, _NBLK)
    eye = jnp.eye(D_OUT, dtype=jnp.float32)
    return pl.pallas_call(
        _sum_t_body,
        grid=(grid,),
        in_specs=[
            pl.BlockSpec((_NC, D_OUT, _NBLK), lambda i: (0, 0, i)),
            pl.BlockSpec((D_OUT, D_OUT), lambda i: (0, 0)),
        ],
        out_specs=pl.BlockSpec((_NBLK, D_OUT), lambda i: (i, 0)),
        out_shape=jax.ShapeDtypeStruct((n, D_OUT), jnp.float32),
    )(partials, eye)


def kernel(edge_index, edge_vals, u_f, v_f, W):
    node_f = jnp.concatenate([u_f, v_f], axis=0)
    hP, rc = _prep(node_f, W.astype(jnp.float32), edge_index.astype(jnp.int32))
    partials = _spmm(hP, rc, edge_vals.astype(jnp.float32))
    return _sum_transpose(partials)

# --- scband reference (transcript-rebuilt; emitter-appended) ---
"""Pipeline reference for scband-gcnlayer-72945724555832 (READ-ONLY COPY).

The authoritative reference and input builder live on the scoring server;
editing this copy changes nothing except your own understanding.
"""

import jax, jax.numpy as jnp
import numpy as np

N_U = 5000
N_V = 5000
N = N_U + N_V
E = 320000
D_IN = 128
D_OUT = 128


def setup_inputs(seed: int = 0) -> dict:
    key = jax.random.key(seed)
    k1, k2, k3, k4, k5 = jax.random.split(key, 5)
    # Sparse adjacency in COO form: adj[row, col] = val, shape [N, N]
    edge_index = jax.random.randint(k1, (2, E), 0, N)
    edge_vals = jax.random.uniform(k2, (E,), dtype=jnp.float32)
    u_f = jax.random.normal(k3, (N_U, D_IN), dtype=jnp.float32)
    v_f = jax.random.normal(k4, (N_V, D_IN), dtype=jnp.float32)
    # Xavier-uniform init for the learned weight, matching nn.init.xavier_uniform_
    limit = float(np.sqrt(6.0 / (D_IN + D_OUT)))
    W = jax.random.uniform(k5, (D_IN, D_OUT), minval=-limit, maxval=limit, dtype=jnp.float32)
    return {"edge_index": edge_index, "edge_vals": edge_vals, "u_f": u_f, "v_f": v_f, "W": W}


def reference(edge_index, edge_vals, u_f, v_f, W):
    # node_f = cat([u_f, v_f], dim=0)
    node_f = jnp.concatenate([u_f, v_f], axis=0)
    # node_f = node_f @ weight
    h = node_f @ W
    # node_f = torch.sparse.mm(adj, node_f) with adj in COO (row, col, val):
    # out[i] = sum_{e: row[e]==i} val[e] * h[col[e]]  -> gather + scatter-add
    row = edge_index[0]
    col = edge_index[1]
    msgs = edge_vals[:, None] * jnp.take(h, col, axis=0)
    out = jnp.zeros((N, D_OUT), dtype=h.dtype).at[row].add(msgs)
    # activation is None
    return out

if __name__ == "__main__":
    import jax
    _d = setup_inputs()
    print(jax.jit(kernel)(*tuple(_d.values())))

</pallas_src>

<mosaic_0001>
#map = affine_map<(d0, d1) -> (0, 0)>
#map1 = affine_map<(d0, d1) -> (0)>
#map2 = affine_map<(d0, d1) -> (0, 0, 0)>
module attributes {stable_mosaic.version = 14 : i64} {
  func.func @_spmm_body(%arg0: i32, %arg1: i32, %arg2: memref<64x10000xi32, #tpu.memory_space<hbm>>, %arg3: memref<320000xi32, #tpu.memory_space<hbm>>, %arg4: memref<320000xf32, #tpu.memory_space<hbm>>, %arg5: memref<2x128x10000xf32, #tpu.memory_space<hbm>>, %arg6: memref<10000xi32, #tpu.memory_space<vmem>>, %arg7: memref<10000xi32, #tpu.memory_space<vmem>>, %arg8: memref<10000xi32, #tpu.memory_space<vmem>>, %arg9: memref<10000xi32, #tpu.memory_space<vmem>>, %arg10: memref<10000xf32, #tpu.memory_space<vmem>>, %arg11: memref<10000xf32, #tpu.memory_space<vmem>>, %arg12: memref<10000xf32, #tpu.memory_space<vmem>>, %arg13: memref<10000xf32, #tpu.memory_space<vmem>>, %arg14: memref<10000xf32, #tpu.memory_space<vmem>>, %arg15: memref<10000xf32, #tpu.memory_space<vmem>>, %arg16: memref<10000xf32, #tpu.memory_space<vmem>>, %arg17: memref<10000xf32, #tpu.memory_space<vmem>>, %arg18: memref<2000xi32, #tpu.memory_space<vmem>>, %arg19: memref<2000xf32, #tpu.memory_space<vmem>>, %arg20: memref<2000xi32, #tpu.memory_space<vmem>>, %arg21: memref<2000xf32, #tpu.memory_space<vmem>>, %arg22: memref<!tpu.dma_semaphore, #tpu.memory_space<semaphore_mem>>, %arg23: memref<!tpu.dma_semaphore, #tpu.memory_space<semaphore_mem>>) attributes {dimension_semantics = [#tpu.dimension_semantics<core_parallel>, #tpu.dimension_semantics<subcore_parallel>], iteration_bounds = array<i64: 2, 16>, scalar_prefetch = 0 : i64, scratch_operands = 18 : i64, tpu.core_type = #tpu.core_type<sc_vector_subcore>, window_params = [{transform_indices = #map}, {transform_indices = #map1}, {transform_indices = #map1}, {transform_indices = #map2}]} {
    %mul3A = arith.constant 4 : i32
    %mul3A_0 = arith.muli %arg1, %mul3A : i32
    %mul3A_1 = arith.constant 160000 : i32
    %mul3A_2 = arith.muli %arg0, %mul3A_1 : i32
    %add3A = arith.constant 0 : i32
    %add3A_3 = arith.addi %mul3A_0, %add3A : i32
    %dma_start3A = arith.constant 0 : i32
    %dma_start3A_4 = tpu.memref_slice %arg2[%add3A_3, %dma_start3A] : memref<64x10000xi32, #tpu.memory_space<hbm>> -> memref<1x10000xi32, #tpu.memory_space<hbm>>
    %dma_start3A_5 = tpu.memref_squeeze %dma_start3A_4 : memref<1x10000xi32, #tpu.memory_space<hbm>> -> memref<10000xi32, #tpu.memory_space<hbm>>
    %dma_start3A_6 = arith.constant 0 : i32
    %dma_start3A_7 = tpu.memref_slice %arg2[%add3A_3, %dma_start3A_6] : memref<64x10000xi32, #tpu.memory_space<hbm>> -> memref<1x10000xi32, #tpu.memory_space<hbm>>
    %dma_start3A_8 = tpu.memref_squeeze %dma_start3A_7 : memref<1x10000xi32, #tpu.memory_space<hbm>> -> memref<10000xi32, #tpu.memory_space<hbm>>
    tpu.enqueue_dma source(%dma_start3A_8 : memref<10000xi32, #tpu.memory_space<hbm>>) target(%arg6 : memref<10000xi32, #tpu.memory_space<vmem>>) target_semaphore(%arg22 : memref<!tpu.dma_semaphore, #tpu.memory_space<semaphore_mem>>)
    %add3A_9 = arith.constant 1 : i32
    %add3A_10 = arith.addi %mul3A_0, %add3A_9 : i32
    %dma_start3A_11 = arith.constant 0 : i32
    %dma_start3A_12 = tpu.memref_slice %arg2[%add3A_10, %dma_start3A_11] : memref<64x10000xi32, #tpu.memory_space<hbm>> -> memref<1x10000xi32, #tpu.memory_space<hbm>>
    %dma_start3A_13 = tpu.memref_squeeze %dma_start3A_12 : memref<1x10000xi32, #tpu.memory_space<hbm>> -> memref<10000xi32, #tpu.memory_space<hbm>>
    %dma_start3A_14 = arith.constant 0 : i32
    %dma_start3A_15 = tpu.memref_slice %arg2[%add3A_10, %dma_start3A_14] : memref<64x10000xi32, #tpu.memory_space<hbm>> -> memref<1x10000xi32, #tpu.memory_space<hbm>>
    %dma_start3A_16 = tpu.memref_squeeze %dma_start3A_15 : memref<1x10000xi32, #tpu.memory_space<hbm>> -> memref<10000xi32, #tpu.memory_space<hbm>>
    tpu.enqueue_dma source(%dma_start3A_16 : memref<10000xi32, #tpu.memory_space<hbm>>) target(%arg7 : memref<10000xi32, #tpu.memory_space<vmem>>) target_semaphore(%arg22 : memref<!tpu.dma_semaphore, #tpu.memory_space<semaphore_mem>>)
    %add3A_17 = arith.constant 2 : i32
    %add3A_18 = arith.addi %mul3A_0, %add3A_17 : i32
    %dma_start3A_19 = arith.constant 0 : i32
    %dma_start3A_20 = tpu.memref_slice %arg2[%add3A_18, %dma_start3A_19] : memref<64x10000xi32, #tpu.memory_space<hbm>> -> memref<1x10000xi32, #tpu.memory_space<hbm>>
    %dma_start3A_21 = tpu.memref_squeeze %dma_start3A_20 : memref<1x10000xi32, #tpu.memory_space<hbm>> -> memref<10000xi32, #tpu.memory_space<hbm>>
    %dma_start3A_22 = arith.constant 0 : i32
    %dma_start3A_23 = tpu.memref_slice %arg2[%add3A_18, %dma_start3A_22] : memref<64x10000xi32, #tpu.memory_space<hbm>> -> memref<1x10000xi32, #tpu.memory_space<hbm>>
    %dma_start3A_24 = tpu.memref_squeeze %dma_start3A_23 : memref<1x10000xi32, #tpu.memory_space<hbm>> -> memref<10000xi32, #tpu.memory_space<hbm>>
    tpu.enqueue_dma source(%dma_start3A_24 : memref<10000xi32, #tpu.memory_space<hbm>>) target(%arg8 : memref<10000xi32, #tpu.memory_space<vmem>>) target_semaphore(%arg22 : memref<!tpu.dma_semaphore, #tpu.memory_space<semaphore_mem>>)
    %add3A_25 = arith.constant 3 : i32
    %add3A_26 = arith.addi %mul3A_0, %add3A_25 : i32
    %dma_start3A_27 = arith.constant 0 : i32
    %dma_start3A_28 = tpu.memref_slice %arg2[%add3A_26, %dma_start3A_27] : memref<64x10000xi32, #tpu.memory_space<hbm>> -> memref<1x10000xi32, #tpu.memory_space<hbm>>
    %dma_start3A_29 = tpu.memref_squeeze %dma_start3A_28 : memref<1x10000xi32, #tpu.memory_space<hbm>> -> memref<10000xi32, #tpu.memory_space<hbm>>
    %dma_start3A_30 = arith.constant 0 : i32
    %dma_start3A_31 = tpu.memref_slice %arg2[%add3A_26, %dma_start3A_30] : memref<64x10000xi32, #tpu.memory_space<hbm>> -> memref<1x10000xi32, #tpu.memory_space<hbm>>
    %dma_start3A_32 = tpu.memref_squeeze %dma_start3A_31 : memref<1x10000xi32, #tpu.memory_space<hbm>> -> memref<10000xi32, #tpu.memory_space<hbm>>
    tpu.enqueue_dma source(%dma_start3A_32 : memref<10000xi32, #tpu.memory_space<hbm>>) target(%arg9 : memref<10000xi32, #tpu.memory_space<vmem>>) target_semaphore(%arg22 : memref<!tpu.dma_semaphore, #tpu.memory_space<semaphore_mem>>)
    %broadcast_in_dim3A = arith.constant 0.000000e+00 : f32
    %broadcast_in_dim3A_33 = vector.broadcast %broadcast_in_dim3A : f32 to vector<16xf32>
    %parallel_loop3A = arith.constant 0 : i32
    %parallel_loop3A_34 = arith.constant 625 : i32
    %parallel_loop3A_35 = arith.constant 1 : i32
    scf.for %parallel_loop3A_111 = %parallel_loop3A to %parallel_loop3A_34 step %parallel_loop3A_35  : i32 {
      %parallel_loop3A_112 = arith.constant 16 : i32
      %parallel_loop3A_113 = arith.muli %parallel_loop3A_111, %parallel_loop3A_112 : i32
      %parallel_loop3A_114 = tpu.assume_multiple %parallel_loop3A_113, 16 : i32
      %parallel_loop3A_115 = arith.index_cast %parallel_loop3A_114 : i32 to index
      %parallel_loop3A_116 = tpu.vector_load %arg10[%parallel_loop3A_115] {strides = array<i32>} : memref<10000xf32, #tpu.memory_space<vmem>>, vector<16xf32>,
      tpu.vector_store %arg10[%parallel_loop3A_115], %broadcast_in_dim3A_33 {strides = array<i32>} : memref<10000xf32, #tpu.memory_space<vmem>>, vector<16xf32>,
      %parallel_loop3A_117 = arith.index_cast %parallel_loop3A_114 : i32 to index
      %parallel_loop3A_118 = tpu.vector_load %arg11[%parallel_loop3A_117] {strides = array<i32>} : memref<10000xf32, #tpu.memory_space<vmem>>, vector<16xf32>,
      tpu.vector_store %arg11[%parallel_loop3A_117], %broadcast_in_dim3A_33 {strides = array<i32>} : memref<10000xf32, #tpu.memory_space<vmem>>, vector<16xf32>,
      %parallel_loop3A_119 = arith.index_cast %parallel_loop3A_114 : i32 to index
      %parallel_loop3A_120 = tpu.vector_load %arg12[%parallel_loop3A_119] {strides = array<i32>} : memref<10000xf32, #tpu.memory_space<vmem>>, vector<16xf32>,
      tpu.vector_store %arg12[%parallel_loop3A_119], %broadcast_in_dim3A_33 {strides = array<i32>} : memref<10000xf32, #tpu.memory_space<vmem>>, vector<16xf32>,
      %parallel_loop3A_121 = arith.index_cast %parallel_loop3A_114 : i32 to index
      %parallel_loop3A_122 = tpu.vector_load %arg13[%parallel_loop3A_121] {strides = array<i32>} : memref<10000xf32, #tpu.memory_space<vmem>>, vector<16xf32>,
      tpu.vector_store %arg13[%parallel_loop3A_121], %broadcast_in_dim3A_33 {strides = array<i32>} : memref<10000xf32, #tpu.memory_space<vmem>>, vector<16xf32>,
      %parallel_loop3A_123 = arith.index_cast %parallel_loop3A_114 : i32 to index
      %parallel_loop3A_124 = tpu.vector_load %arg14[%parallel_loop3A_123] {strides = array<i32>} : memref<10000xf32, #tpu.memory_space<vmem>>, vector<16xf32>,
      tpu.vector_store %arg14[%parallel_loop3A_123], %broadcast_in_dim3A_33 {strides = array<i32>} : memref<10000xf32, #tpu.memory_space<vmem>>, vector<16xf32>,
      %parallel_loop3A_125 = arith.index_cast %parallel_loop3A_114 : i32 to index
      %parallel_loop3A_126 = tpu.vector_load %arg15[%parallel_loop3A_125] {strides = array<i32>} : memref<10000xf32, #tpu.memory_space<vmem>>, vector<16xf32>,
      tpu.vector_store %arg15[%parallel_loop3A_125], %broadcast_in_dim3A_33 {strides = array<i32>} : memref<10000xf32, #tpu.memory_space<vmem>>, vector<16xf32>,
      %parallel_loop3A_127 = arith.index_cast %parallel_loop3A_114 : i32 to index
      %parallel_loop3A_128 = tpu.vector_load %arg16[%parallel_loop3A_127] {strides = array<i32>} : memref<10000xf32, #tpu.memory_space<vmem>>, vector<16xf32>,
      tpu.vector_store %arg16[%parallel_loop3A_127], %broadcast_in_dim3A_33 {strides = array<i32>} : memref<10000xf32, #tpu.memory_space<vmem>>, vector<16xf32>,
      %parallel_loop3A_129 = arith.index_cast %parallel_loop3A_114 : i32 to index
      %parallel_loop3A_130 = tpu.vector_load %arg17[%parallel_loop3A_129] {strides = array<i32>} : memref<10000xf32, #tpu.memory_space<vmem>>, vector<16xf32>,
      tpu.vector_store %arg17[%parallel_loop3A_129], %broadcast_in_dim3A_33 {strides = array<i32>} : memref<10000xf32, #tpu.memory_space<vmem>>, vector<16xf32>,
    } {sc.loop_unroll_factor = 8 : i64, sc.parallel_access}
    %add3A_36 = arith.constant 0 : i32
    %add3A_37 = arith.addi %mul3A_0, %add3A_36 : i32
    %dma_wait3A = arith.constant 0 : i32
    %dma_wait3A_38 = tpu.memref_slice %arg2[%add3A_37, %dma_wait3A] : memref<64x10000xi32, #tpu.memory_space<hbm>> -> memref<1x10000xi32, #tpu.memory_space<hbm>>
    %dma_wait3A_39 = tpu.memref_squeeze %dma_wait3A_38 : memref<1x10000xi32, #tpu.memory_space<hbm>> -> memref<10000xi32, #tpu.memory_space<hbm>>
    %dma_wait3A_40 = arith.constant 0 : i32
    %dma_wait3A_41 = tpu.memref_slice %arg2[%add3A_37, %dma_wait3A_40] : memref<64x10000xi32, #tpu.memory_space<hbm>> -> memref<1x10000xi32, #tpu.memory_space<hbm>>
    %dma_wait3A_42 = tpu.memref_squeeze %dma_wait3A_41 : memref<1x10000xi32, #tpu.memory_space<hbm>> -> memref<10000xi32, #tpu.memory_space<hbm>>
    tpu.wait_dma2 semaphore(%arg22 : memref<!tpu.dma_semaphore, #tpu.memory_space<semaphore_mem>>) src(%dma_wait3A_42 : memref<10000xi32, #tpu.memory_space<hbm>>) dst(%arg6 : memref<10000xi32, #tpu.memory_space<vmem>>)
    %add3A_43 = arith.constant 1 : i32
    %add3A_44 = arith.addi %mul3A_0, %add3A_43 : i32
    %dma_wait3A_45 = arith.constant 0 : i32
    %dma_wait3A_46 = tpu.memref_slice %arg2[%add3A_44, %dma_wait3A_45] : memref<64x10000xi32, #tpu.memory_space<hbm>> -> memref<1x10000xi32, #tpu.memory_space<hbm>>
    %dma_wait3A_47 = tpu.memref_squeeze %dma_wait3A_46 : memref<1x10000xi32, #tpu.memory_space<hbm>> -> memref<10000xi32, #tpu.memory_space<hbm>>
    %dma_wait3A_48 = arith.constant 0 : i32
    %dma_wait3A_49 = tpu.memref_slice %arg2[%add3A_44, %dma_wait3A_48] : memref<64x10000xi32, #tpu.memory_space<hbm>> -> memref<1x10000xi32, #tpu.memory_space<hbm>>
    %dma_wait3A_50 = tpu.memref_squeeze %dma_wait3A_49 : memref<1x10000xi32, #tpu.memory_space<hbm>> -> memref<10000xi32, #tpu.memory_space<hbm>>
    tpu.wait_dma2 semaphore(%arg22 : memref<!tpu.dma_semaphore, #tpu.memory_space<semaphore_mem>>) src(%dma_wait3A_50 : memref<10000xi32, #tpu.memory_space<hbm>>) dst(%arg7 : memref<10000xi32, #tpu.memory_space<vmem>>)
    %add3A_51 = arith.constant 2 : i32
    %add3A_52 = arith.addi %mul3A_0, %add3A_51 : i32
    %dma_wait3A_53 = arith.constant 0 : i32
    %dma_wait3A_54 = tpu.memref_slice %arg2[%add3A_52, %dma_wait3A_53] : memref<64x10000xi32, #tpu.memory_space<hbm>> -> memref<1x10000xi32, #tpu.memory_space<hbm>>
    %dma_wait3A_55 = tpu.memref_squeeze %dma_wait3A_54 : memref<1x10000xi32, #tpu.memory_space<hbm>> -> memref<10000xi32, #tpu.memory_space<hbm>>
    %dma_wait3A_56 = arith.constant 0 : i32
    %dma_wait3A_57 = tpu.memref_slice %arg2[%add3A_52, %dma_wait3A_56] : memref<64x10000xi32, #tpu.memory_space<hbm>> -> memref<1x10000xi32, #tpu.memory_space<hbm>>
    %dma_wait3A_58 = tpu.memref_squeeze %dma_wait3A_57 : memref<1x10000xi32, #tpu.memory_space<hbm>> -> memref<10000xi32, #tpu.memory_space<hbm>>
    tpu.wait_dma2 semaphore(%arg22 : memref<!tpu.dma_semaphore, #tpu.memory_space<semaphore_mem>>) src(%dma_wait3A_58 : memref<10000xi32, #tpu.memory_space<hbm>>) dst(%arg8 : memref<10000xi32, #tpu.memory_space<vmem>>)
    %add3A_59 = arith.constant 3 : i32
    %add3A_60 = arith.addi %mul3A_0, %add3A_59 : i32
    %dma_wait3A_61 = arith.constant 0 : i32
    %dma_wait3A_62 = tpu.memref_slice %arg2[%add3A_60, %dma_wait3A_61] : memref<64x10000xi32, #tpu.memory_space<hbm>> -> memref<1x10000xi32, #tpu.memory_space<hbm>>
    %dma_wait3A_63 = tpu.memref_squeeze %dma_wait3A_62 : memref<1x10000xi32, #tpu.memory_space<hbm>> -> memref<10000xi32, #tpu.memory_space<hbm>>
    %dma_wait3A_64 = arith.constant 0 : i32
    %dma_wait3A_65 = tpu.memref_slice %arg2[%add3A_60, %dma_wait3A_64] : memref<64x10000xi32, #tpu.memory_space<hbm>> -> memref<1x10000xi32, #tpu.memory_space<hbm>>
    %dma_wait3A_66 = tpu.memref_squeeze %dma_wait3A_65 : memref<1x10000xi32, #tpu.memory_space<hbm>> -> memref<10000xi32, #tpu.memory_space<hbm>>
    tpu.wait_dma2 semaphore(%arg22 : memref<!tpu.dma_semaphore, #tpu.memory_space<semaphore_mem>>) src(%dma_wait3A_66 : memref<10000xi32, #tpu.memory_space<hbm>>) dst(%arg9 : memref<10000xi32, #tpu.memory_space<vmem>>)
    %broadcast_in_dim3A_67 = arith.constant 65535 : i32
    %broadcast_in_dim3A_68 = vector.broadcast %broadcast_in_dim3A_67 : i32 to vector<16xi32>
    %add3A_69 = arith.constant 0 : i32
    %add3A_70 = arith.addi %mul3A_2, %add3A_69 : i32
    %multiple_of3A = tpu.assume_multiple %add3A_70, 8 : i32
    %dma_start3A_71 = tpu.memref_slice %arg3[%multiple_of3A] : memref<320000xi32, #tpu.memory_space<hbm>> -> memref<2000xi32, #tpu.memory_space<hbm>>
    %dma_start3A_72 = tpu.memref_slice %arg3[%multiple_of3A] : memref<320000xi32, #tpu.memory_space<hbm>> -> memref<2000xi32, #tpu.memory_space<hbm>>
    tpu.enqueue_dma source(%dma_start3A_72 : memref<2000xi32, #tpu.memory_space<hbm>>) target(%arg18 : memref<2000xi32, #tpu.memory_space<vmem>>) target_semaphore(%arg22 : memref<!tpu.dma_semaphore, #tpu.memory_space<semaphore_mem>>)
    %dma_start3A_73 = tpu.memref_slice %arg4[%multiple_of3A] : memref<320000xf32, #tpu.memory_space<hbm>> -> memref<2000xf32, #tpu.memory_space<hbm>>
    %dma_start3A_74 = tpu.memref_slice %arg4[%multiple_of3A] : memref<320000xf32, #tpu.memory_space<hbm>> -> memref<2000xf32, #tpu.memory_space<hbm>>
    tpu.enqueue_dma source(%dma_start3A_74 : memref<2000xf32, #tpu.memory_space<hbm>>) target(%arg19 : memref<2000xf32, #tpu.memory_space<vmem>>) target_semaphore(%arg22 : memref<!tpu.dma_semaphore, #tpu.memory_space<semaphore_mem>>)
    %add3A_75 = arith.constant 2000 : i32
    %add3A_76 = arith.addi %mul3A_2, %add3A_75 : i32
    %multiple_of3A_77 = tpu.assume_multiple %add3A_76, 8 : i32
    %dma_start3A_78 = tpu.memref_slice %arg3[%multiple_of3A_77] : memref<320000xi32, #tpu.memory_space<hbm>> -> memref<2000xi32, #tpu.memory_space<hbm>>
    %dma_start3A_79 = tpu.memref_slice %arg3[%multiple_of3A_77] : memref<320000xi32, #tpu.memory_space<hbm>> -> memref<2000xi32, #tpu.memory_space<hbm>>
    tpu.enqueue_dma source(%dma_start3A_79 : memref<2000xi32, #tpu.memory_space<hbm>>) target(%arg20 : memref<2000xi32, #tpu.memory_space<vmem>>) target_semaphore(%arg23 : memref<!tpu.dma_semaphore, #tpu.memory_space<semaphore_mem>>)
    %dma_start3A_80 = tpu.memref_slice %arg4[%multiple_of3A_77] : memref<320000xf32, #tpu.memory_space<hbm>> -> memref<2000xf32, #tpu.memory_space<hbm>>
    %dma_start3A_81 = tpu.memref_slice %arg4[%multiple_of3A_77] : memref<320000xf32, #tpu.memory_space<hbm>> -> memref<2000xf32, #tpu.memory_space<hbm>>
    tpu.enqueue_dma source(%dma_start3A_81 : memref<2000xf32, #tpu.memory_space<hbm>>) target(%arg21 : memref<2000xf32, #tpu.memory_space<vmem>>) target_semaphore(%arg23 : memref<!tpu.dma_semaphore, #tpu.memory_space<semaphore_mem>>)
    %scan3A = arith.constant 0 : i32
    %scan3A_82 = arith.constant 0 : i32
    %scan3A_83 = arith.constant 40 : i32
    %scan3A_84 = arith.addi %scan3A_82, %scan3A_83 : i32
    %scan3A_85 = arith.constant 1 : i32
    scf.for %scan3A_111 = %scan3A_82 to %scan3A_84 step %scan3A_85  : i32 {
      %mul3A_112 = arith.constant 2 : i32
      %mul3A_113 = arith.muli %scan3A_111, %mul3A_112 : i32
      %mul3A_114 = arith.constant 2000 : i32
      %mul3A_115 = arith.muli %mul3A_113, %mul3A_114 : i32
      %add3A_116 = arith.addi %mul3A_2, %mul3A_115 : i32
      %multiple_of3A_117 = tpu.assume_multiple %add3A_116, 8 : i32
      %dma_wait3A_118 = tpu.memref_slice %arg3[%multiple_of3A_117] : memref<320000xi32, #tpu.memory_space<hbm>> -> memref<2000xi32, #tpu.memory_space<hbm>>
      %dma_wait3A_119 = tpu.memref_slice %arg3[%multiple_of3A_117] : memref<320000xi32, #tpu.memory_space<hbm>> -> memref<2000xi32, #tpu.memory_space<hbm>>
      tpu.wait_dma2 semaphore(%arg22 : memref<!tpu.dma_semaphore, #tpu.memory_space<semaphore_mem>>) src(%dma_wait3A_119 : memref<2000xi32, #tpu.memory_space<hbm>>) dst(%arg18 : memref<2000xi32, #tpu.memory_space<vmem>>)
      %dma_wait3A_120 = tpu.memref_slice %arg4[%multiple_of3A_117] : memref<320000xf32, #tpu.memory_space<hbm>> -> memref<2000xf32, #tpu.memory_space<hbm>>
      %dma_wait3A_121 = tpu.memref_slice %arg4[%multiple_of3A_117] : memref<320000xf32, #tpu.memory_space<hbm>> -> memref<2000xf32, #tpu.memory_space<hbm>>
      tpu.wait_dma2 semaphore(%arg22 : memref<!tpu.dma_semaphore, #tpu.memory_space<semaphore_mem>>) src(%dma_wait3A_121 : memref<2000xf32, #tpu.memory_space<hbm>>) dst(%arg19 : memref<2000xf32, #tpu.memory_space<vmem>>)
      %parallel_loop3A_122 = arith.constant 0 : i32
      %parallel_loop3A_123 = arith.constant 125 : i32
      %parallel_loop3A_124 = arith.constant 1 : i32
      scf.for %parallel_loop3A_149 = %parallel_loop3A_122 to %parallel_loop3A_123 step %parallel_loop3A_124  : i32 {
        %parallel_loop3A_150 = arith.constant 16 : i32
        %parallel_loop3A_151 = arith.muli %parallel_loop3A_149, %parallel_loop3A_150 : i32
        %parallel_loop3A_152 = tpu.assume_multiple %parallel_loop3A_151, 16 : i32
        %parallel_loop3A_153 = arith.index_cast %parallel_loop3A_152 : i32 to index
        %parallel_loop3A_154 = tpu.vector_load %arg18[%parallel_loop3A_153] {strides = array<i32>} : memref<2000xi32, #tpu.memory_space<vmem>>, vector<16xi32>,
        %parallel_loop3A_155 = arith.index_cast %parallel_loop3A_152 : i32 to index
        %parallel_loop3A_156 = tpu.vector_load %arg19[%parallel_loop3A_155] {strides = array<i32>} : memref<2000xf32, #tpu.memory_space<vmem>>, vector<16xf32>,
        %parallel_loop3A_157 = arith.andi %parallel_loop3A_154, %broadcast_in_dim3A_68 : vector<16xi32>
        %parallel_loop3A_158 = arith.constant 16 : i32
        %parallel_loop3A_159 = vector.broadcast %parallel_loop3A_158 : i32 to vector<16xi32>
        %parallel_loop3A_160 = arith.shrui %parallel_loop3A_154, %parallel_loop3A_159 : vector<16xi32>
        %parallel_loop3A_161 = tpu.vector_load_idx %arg6[%parallel_loop3A_160] : memref<10000xi32, #tpu.memory_space<vmem>>[vector<16xi32>], vector<16xi32>,
        %parallel_loop3A_162 = arith.constant 16 : i32
        %parallel_loop3A_163 = vector.broadcast %parallel_loop3A_162 : i32 to vector<16xi32>
        %parallel_loop3A_164 = arith.shli %parallel_loop3A_161, %parallel_loop3A_163 : vector<16xi32>
        %parallel_loop3A_165 = vector.bitcast %parallel_loop3A_164 : vector<16xi32> to vector<16xf32>
        %parallel_loop3A_166 = vector.bitcast %parallel_loop3A_161 : vector<16xi32> to vector<16xf32>
        %parallel_loop3A_167 = arith.mulf %parallel_loop3A_165, %parallel_loop3A_156 : vector<16xf32>
        tpu.vector_store_idx %arg10[%parallel_loop3A_157], %parallel_loop3A_167 {add = true} : memref<10000xf32, #tpu.memory_space<vmem>>[vector<16xi32>], vector<16xf32>,
        %parallel_loop3A_168 = arith.mulf %parallel_loop3A_166, %parallel_loop3A_156 : vector<16xf32>
        tpu.vector_store_idx %arg11[%parallel_loop3A_157], %parallel_loop3A_168 {add = true} : memref<10000xf32, #tpu.memory_space<vmem>>[vector<16xi32>], vector<16xf32>,
        %parallel_loop3A_169 = tpu.vector_load_idx %arg7[%parallel_loop3A_160] : memref<10000xi32, #tpu.memory_space<vmem>>[vector<16xi32>], vector<16xi32>,
        %parallel_loop3A_170 = arith.constant 16 : i32
        %parallel_loop3A_171 = vector.broadcast %parallel_loop3A_170 : i32 to vector<16xi32>
        %parallel_loop3A_172 = arith.shli %parallel_loop3A_169, %parallel_loop3A_171 : vector<16xi32>
        %parallel_loop3A_173 = vector.bitcast %parallel_loop3A_172 : vector<16xi32> to vector<16xf32>
        %parallel_loop3A_174 = vector.bitcast %parallel_loop3A_169 : vector<16xi32> to vector<16xf32>
        %parallel_loop3A_175 = arith.mulf %parallel_loop3A_173, %parallel_loop3A_156 : vector<16xf32>
        tpu.vector_store_idx %arg12[%parallel_loop3A_157], %parallel_loop3A_175 {add = true} : memref<10000xf32, #tpu.memory_space<vmem>>[vector<16xi32>], vector<16xf32>,
        %parallel_loop3A_176 = arith.mulf %parallel_loop3A_174, %parallel_loop3A_156 : vector<16xf32>
        tpu.vector_store_idx %arg13[%parallel_loop3A_157], %parallel_loop3A_176 {add = true} : memref<10000xf32, #tpu.memory_space<vmem>>[vector<16xi32>], vector<16xf32>,
        %parallel_loop3A_177 = tpu.vector_load_idx %arg8[%parallel_loop3A_160] : memref<10000xi32, #tpu.memory_space<vmem>>[vector<16xi32>], vector<16xi32>,
        %parallel_loop3A_178 = arith.constant 16 : i32
        %parallel_loop3A_179 = vector.broadcast %parallel_loop3A_178 : i32 to vector<16xi32>
        %parallel_loop3A_180 = arith.shli %parallel_loop3A_177, %parallel_loop3A_179 : vector<16xi32>
        %parallel_loop3A_181 = vector.bitcast %parallel_loop3A_180 : vector<16xi32> to vector<16xf32>
        %parallel_loop3A_182 = vector.bitcast %parallel_loop3A_177 : vector<16xi32> to vector<16xf32>
        %parallel_loop3A_183 = arith.mulf %parallel_loop3A_181, %parallel_loop3A_156 : vector<16xf32>
        tpu.vector_store_idx %arg14[%parallel_loop3A_157], %parallel_loop3A_183 {add = true} : memref<10000xf32, #tpu.memory_space<vmem>>[vector<16xi32>], vector<16xf32>,
        %parallel_loop3A_184 = arith.mulf %parallel_loop3A_182, %parallel_loop3A_156 : vector<16xf32>
        tpu.vector_store_idx %arg15[%parallel_loop3A_157], %parallel_loop3A_184 {add = true} : memref<10000xf32, #tpu.memory_space<vmem>>[vector<16xi32>], vector<16xf32>,
        %parallel_loop3A_185 = tpu.vector_load_idx %arg9[%parallel_loop3A_160] : memref<10000xi32, #tpu.memory_space<vmem>>[vector<16xi32>], vector<16xi32>,
        %parallel_loop3A_186 = arith.constant 16 : i32
        %parallel_loop3A_187 = vector.broadcast %parallel_loop3A_186 : i32 to vector<16xi32>
        %parallel_loop3A_188 = arith.shli %parallel_loop3A_185, %parallel_loop3A_187 : vector<16xi32>
        %parallel_loop3A_189 = vector.bitcast %parallel_loop3A_188 : vector<16xi32> to vector<16xf32>
        %parallel_loop3A_190 = vector.bitcast %parallel_loop3A_185 : vector<16xi32> to vector<16xf32>
        %parallel_loop3A_191 = arith.mulf %parallel_loop3A_189, %parallel_loop3A_156 : vector<16xf32>
        tpu.vector_store_idx %arg16[%parallel_loop3A_157], %parallel_loop3A_191 {add = true} : memref<10000xf32, #tpu.memory_space<vmem>>[vector<16xi32>], vector<16xf32>,
        %parallel_loop3A_192 = arith.mulf %parallel_loop3A_190, %parallel_loop3A_156 : vector<16xf32>
        tpu.vector_store_idx %arg17[%parallel_loop3A_157], %parallel_loop3A_192 {add = true} : memref<10000xf32, #tpu.memory_space<vmem>>[vector<16xi32>], vector<16xf32>,
      } {sc.loop_unroll_factor = 4 : i64, sc.parallel_access}
      %add3A_125 = arith.constant 2 : i32
      %add3A_126 = arith.addi %mul3A_113, %add3A_125 : i32
      %lt3A = arith.constant 80 : i32
      %lt3A_127 = arith.cmpi slt, %add3A_126, %lt3A : i32
      %convert_element_type3A = arith.extui %lt3A_127 : i1 to i32
      %cond3A = arith.constant 0 : i32
      %cond3A_128 = arith.cmpi ne, %convert_element_type3A, %cond3A : i32
      scf.if %cond3A_128 {
        %add3A_149 = arith.constant 2 : i32
        %add3A_150 = arith.addi %mul3A_113, %add3A_149 : i32
        %mul3A_151 = arith.constant 2000 : i32
        %mul3A_152 = arith.muli %add3A_150, %mul3A_151 : i32
        %add3A_153 = arith.addi %mul3A_2, %mul3A_152 : i32
        %multiple_of3A_154 = tpu.assume_multiple %add3A_153, 8 : i32
        %dma_start3A_155 = tpu.memref_slice %arg3[%multiple_of3A_154] : memref<320000xi32, #tpu.memory_space<hbm>> -> memref<2000xi32, #tpu.memory_space<hbm>>
        %dma_start3A_156 = tpu.memref_slice %arg3[%multiple_of3A_154] : memref<320000xi32, #tpu.memory_space<hbm>> -> memref<2000xi32, #tpu.memory_space<hbm>>
        tpu.enqueue_dma source(%dma_start3A_156 : memref<2000xi32, #tpu.memory_space<hbm>>) target(%arg18 : memref<2000xi32, #tpu.memory_space<vmem>>) target_semaphore(%arg22 : memref<!tpu.dma_semaphore, #tpu.memory_space<semaphore_mem>>)
        %dma_start3A_157 = tpu.memref_slice %arg4[%multiple_of3A_154] : memref<320000xf32, #tpu.memory_space<hbm>> -> memref<2000xf32, #tpu.memory_space<hbm>>
        %dma_start3A_158 = tpu.memref_slice %arg4[%multiple_of3A_154] : memref<320000xf32, #tpu.memory_space<hbm>> -> memref<2000xf32, #tpu.memory_space<hbm>>
        tpu.enqueue_dma source(%dma_start3A_158 : memref<2000xf32, #tpu.memory_space<hbm>>) target(%arg19 : memref<2000xf32, #tpu.memory_space<vmem>>) target_semaphore(%arg22 : memref<!tpu.dma_semaphore, #tpu.memory_space<semaphore_mem>>)
      } else {
      }
      %add3A_129 = arith.constant 1 : i32
      %add3A_130 = arith.addi %mul3A_113, %add3A_129 : i32
      %mul3A_131 = arith.constant 2000 : i32
      %mul3A_132 = arith.muli %add3A_130, %mul3A_131 : i32
      %add3A_133 = arith.addi %mul3A_2, %mul3A_132 : i32
      %multiple_of3A_134 = tpu.assume_multiple %add3A_133, 8 : i32
      %dma_wait3A_135 = tpu.memref_slice %arg3[%multiple_of3A_134] : memref<320000xi32, #tpu.memory_space<hbm>> -> memref<2000xi32, #tpu.memory_space<hbm>>
      %dma_wait3A_136 = tpu.memref_slice %arg3[%multiple_of3A_134] : memref<320000xi32, #tpu.memory_space<hbm>> -> memref<2000xi32, #tpu.memory_space<hbm>>
      tpu.wait_dma2 semaphore(%arg23 : memref<!tpu.dma_semaphore, #tpu.memory_space<semaphore_mem>>) src(%dma_wait3A_136 : memref<2000xi32, #tpu.memory_space<hbm>>) dst(%arg20 : memref<2000xi32, #tpu.memory_space<vmem>>)
      %dma_wait3A_137 = tpu.memref_slice %arg4[%multiple_of3A_134] : memref<320000xf32, #tpu.memory_space<hbm>> -> memref<2000xf32, #tpu.memory_space<hbm>>
      %dma_wait3A_138 = tpu.memref_slice %arg4[%multiple_of3A_134] : memref<320000xf32, #tpu.memory_space<hbm>> -> memref<2000xf32, #tpu.memory_space<hbm>>
      tpu.wait_dma2 semaphore(%arg23 : memref<!tpu.dma_semaphore, #tpu.memory_space<semaphore_mem>>) src(%dma_wait3A_138 : memref<2000xf32, #tpu.memory_space<hbm>>) dst(%arg21 : memref<2000xf32, #tpu.memory_space<vmem>>)
      %parallel_loop3A_139 = arith.constant 0 : i32
      %parallel_loop3A_140 = arith.constant 125 : i32
      %parallel_loop3A_141 = arith.constant 1 : i32
      scf.for %parallel_loop3A_149 = %parallel_loop3A_139 to %parallel_loop3A_140 step %parallel_loop3A_141  : i32 {
        %parallel_loop3A_150 = arith.constant 16 : i32
        %parallel_loop3A_151 = arith.muli %parallel_loop3A_149, %parallel_loop3A_150 : i32
        %parallel_loop3A_152 = tpu.assume_multiple %parallel_loop3A_151, 16 : i32
        %parallel_loop3A_153 = arith.index_cast %parallel_loop3A_152 : i32 to index
        %parallel_loop3A_154 = tpu.vector_load %arg20[%parallel_loop3A_153] {strides = array<i32>} : memref<2000xi32, #tpu.memory_space<vmem>>, vector<16xi32>,
        %parallel_loop3A_155 = arith.index_cast %parallel_loop3A_152 : i32 to index
        %parallel_loop3A_156 = tpu.vector_load %arg21[%parallel_loop3A_155] {strides = array<i32>} : memref<2000xf32, #tpu.memory_space<vmem>>, vector<16xf32>,
        %parallel_loop3A_157 = arith.andi %parallel_loop3A_154, %broadcast_in_dim3A_68 : vector<16xi32>
        %parallel_loop3A_158 = arith.constant 16 : i32
        %parallel_loop3A_159 = vector.broadcast %parallel_loop3A_158 : i32 to vector<16xi32>
        %parallel_loop3A_160 = arith.shrui %parallel_loop3A_154, %parallel_loop3A_159 : vector<16xi32>
        %parallel_loop3A_161 = tpu.vector_load_idx %arg6[%parallel_loop3A_160] : memref<10000xi32, #tpu.memory_space<vmem>>[vector<16xi32>], vector<16xi32>,
        %parallel_loop3A_162 = arith.constant 16 : i32
        %parallel_loop3A_163 = vector.broadcast %parallel_loop3A_162 : i32 to vector<16xi32>
        %parallel_loop3A_164 = arith.shli %parallel_loop3A_161, %parallel_loop3A_163 : vector<16xi32>
        %parallel_loop3A_165 = vector.bitcast %parallel_loop3A_164 : vector<16xi32> to vector<16xf32>
        %parallel_loop3A_166 = vector.bitcast %parallel_loop3A_161 : vector<16xi32> to vector<16xf32>
        %parallel_loop3A_167 = arith.mulf %parallel_loop3A_165, %parallel_loop3A_156 : vector<16xf32>
        tpu.vector_store_idx %arg10[%parallel_loop3A_157], %parallel_loop3A_167 {add = true} : memref<10000xf32, #tpu.memory_space<vmem>>[vector<16xi32>], vector<16xf32>,
        %parallel_loop3A_168 = arith.mulf %parallel_loop3A_166, %parallel_loop3A_156 : vector<16xf32>
        tpu.vector_store_idx %arg11[%parallel_loop3A_157], %parallel_loop3A_168 {add = true} : memref<10000xf32, #tpu.memory_space<vmem>>[vector<16xi32>], vector<16xf32>,
        %parallel_loop3A_169 = tpu.vector_load_idx %arg7[%parallel_loop3A_160] : memref<10000xi32, #tpu.memory_space<vmem>>[vector<16xi32>], vector<16xi32>,
        %parallel_loop3A_170 = arith.constant 16 : i32
        %parallel_loop3A_171 = vector.broadcast %parallel_loop3A_170 : i32 to vector<16xi32>
        %parallel_loop3A_172 = arith.shli %parallel_loop3A_169, %parallel_loop3A_171 : vector<16xi32>
        %parallel_loop3A_173 = vector.bitcast %parallel_loop3A_172 : vector<16xi32> to vector<16xf32>
        %parallel_loop3A_174 = vector.bitcast %parallel_loop3A_169 : vector<16xi32> to vector<16xf32>
        %parallel_loop3A_175 = arith.mulf %parallel_loop3A_173, %parallel_loop3A_156 : vector<16xf32>
        tpu.vector_store_idx %arg12[%parallel_loop3A_157], %parallel_loop3A_175 {add = true} : memref<10000xf32, #tpu.memory_space<vmem>>[vector<16xi32>], vector<16xf32>,
        %parallel_loop3A_176 = arith.mulf %parallel_loop3A_174, %parallel_loop3A_156 : vector<16xf32>
        tpu.vector_store_idx %arg13[%parallel_loop3A_157], %parallel_loop3A_176 {add = true} : memref<10000xf32, #tpu.memory_space<vmem>>[vector<16xi32>], vector<16xf32>,
        %parallel_loop3A_177 = tpu.vector_load_idx %arg8[%parallel_loop3A_160] : memref<10000xi32, #tpu.memory_space<vmem>>[vector<16xi32>], vector<16xi32>,
        %parallel_loop3A_178 = arith.constant 16 : i32
        %parallel_loop3A_179 = vector.broadcast %parallel_loop3A_178 : i32 to vector<16xi32>
        %parallel_loop3A_180 = arith.shli %parallel_loop3A_177, %parallel_loop3A_179 : vector<16xi32>
        %parallel_loop3A_181 = vector.bitcast %parallel_loop3A_180 : vector<16xi32> to vector<16xf32>
        %parallel_loop3A_182 = vector.bitcast %parallel_loop3A_177 : vector<16xi32> to vector<16xf32>
        %parallel_loop3A_183 = arith.mulf %parallel_loop3A_181, %parallel_loop3A_156 : vector<16xf32>
        tpu.vector_store_idx %arg14[%parallel_loop3A_157], %parallel_loop3A_183 {add = true} : memref<10000xf32, #tpu.memory_space<vmem>>[vector<16xi32>], vector<16xf32>,
        %parallel_loop3A_184 = arith.mulf %parallel_loop3A_182, %parallel_loop3A_156 : vector<16xf32>
        tpu.vector_store_idx %arg15[%parallel_loop3A_157], %parallel_loop3A_184 {add = true} : memref<10000xf32, #tpu.memory_space<vmem>>[vector<16xi32>], vector<16xf32>,
        %parallel_loop3A_185 = tpu.vector_load_idx %arg9[%parallel_loop3A_160] : memref<10000xi32, #tpu.memory_space<vmem>>[vector<16xi32>], vector<16xi32>,
        %parallel_loop3A_186 = arith.constant 16 : i32
        %parallel_loop3A_187 = vector.broadcast %parallel_loop3A_186 : i32 to vector<16xi32>
        %parallel_loop3A_188 = arith.shli %parallel_loop3A_185, %parallel_loop3A_187 : vector<16xi32>
        %parallel_loop3A_189 = vector.bitcast %parallel_loop3A_188 : vector<16xi32> to vector<16xf32>
        %parallel_loop3A_190 = vector.bitcast %parallel_loop3A_185 : vector<16xi32> to vector<16xf32>
        %parallel_loop3A_191 = arith.mulf %parallel_loop3A_189, %parallel_loop3A_156 : vector<16xf32>
        tpu.vector_store_idx %arg16[%parallel_loop3A_157], %parallel_loop3A_191 {add = true} : memref<10000xf32, #tpu.memory_space<vmem>>[vector<16xi32>], vector<16xf32>,
        %parallel_loop3A_192 = arith.mulf %parallel_loop3A_190, %parallel_loop3A_156 : vector<16xf32>
        tpu.vector_store_idx %arg17[%parallel_loop3A_157], %parallel_loop3A_192 {add = true} : memref<10000xf32, #tpu.memory_space<vmem>>[vector<16xi32>], vector<16xf32>,
      } {sc.loop_unroll_factor = 4 : i64, sc.parallel_access}
      %add3A_142 = arith.constant 3 : i32
      %add3A_143 = arith.addi %mul3A_113, %add3A_142 : i32
      %lt3A_144 = arith.constant 80 : i32
      %lt3A_145 = arith.cmpi slt, %add3A_143, %lt3A_144 : i32
      %convert_element_type3A_146 = arith.extui %lt3A_145 : i1 to i32
      %cond3A_147 = arith.constant 0 : i32
      %cond3A_148 = arith.cmpi ne, %convert_element_type3A_146, %cond3A_147 : i32
      scf.if %cond3A_148 {
        %add3A_149 = arith.constant 3 : i32
        %add3A_150 = arith.addi %mul3A_113, %add3A_149 : i32
        %mul3A_151 = arith.constant 2000 : i32
        %mul3A_152 = arith.muli %add3A_150, %mul3A_151 : i32
        %add3A_153 = arith.addi %mul3A_2, %mul3A_152 : i32
        %multiple_of3A_154 = tpu.assume_multiple %add3A_153, 8 : i32
        %dma_start3A_155 = tpu.memref_slice %arg3[%multiple_of3A_154] : memref<320000xi32, #tpu.memory_space<hbm>> -> memref<2000xi32, #tpu.memory_space<hbm>>
        %dma_start3A_156 = tpu.memref_slice %arg3[%multiple_of3A_154] : memref<320000xi32, #tpu.memory_space<hbm>> -> memref<2000xi32, #tpu.memory_space<hbm>>
        tpu.enqueue_dma source(%dma_start3A_156 : memref<2000xi32, #tpu.memory_space<hbm>>) target(%arg20 : memref<2000xi32, #tpu.memory_space<vmem>>) target_semaphore(%arg23 : memref<!tpu.dma_semaphore, #tpu.memory_space<semaphore_mem>>)
        %dma_start3A_157 = tpu.memref_slice %arg4[%multiple_of3A_154] : memref<320000xf32, #tpu.memory_space<hbm>> -> memref<2000xf32, #tpu.memory_space<hbm>>
        %dma_start3A_158 = tpu.memref_slice %arg4[%multiple_of3A_154] : memref<320000xf32, #tpu.memory_space<hbm>> -> memref<2000xf32, #tpu.memory_space<hbm>>
        tpu.enqueue_dma source(%dma_start3A_158 : memref<2000xf32, #tpu.memory_space<hbm>>) target(%arg21 : memref<2000xf32, #tpu.memory_space<vmem>>) target_semaphore(%arg23 : memref<!tpu.dma_semaphore, #tpu.memory_space<semaphore_mem>>)
      } else {
      }
    }
    %scan3A_86 = arith.constant 40 : i32
    %add3A_87 = arith.constant 0 : i32
    %add3A_88 = arith.addi %mul3A_0, %add3A_87 : i32
    "tpu.region"() ({
      %run_scoped3A = tpu.sem_alloc : memref<!tpu.dma_semaphore, #tpu.memory_space<semaphore_mem>>
      %dma_start3A_111 = arith.constant 0 : i32
      %dma_start3A_112 = tpu.memref_slice %arg5[%arg0, %add3A_88, %dma_start3A_111] : memref<2x128x10000xf32, #tpu.memory_space<hbm>> -> memref<1x1x10000xf32, #tpu.memory_space<hbm>>
      %dma_start3A_113 = tpu.memref_squeeze %dma_start3A_112 : memref<1x1x10000xf32, #tpu.memory_space<hbm>> -> memref<10000xf32, #tpu.memory_space<hbm>>
      %dma_start3A_114 = arith.constant 0 : i32
      %dma_start3A_115 = tpu.memref_slice %arg5[%arg0, %add3A_88, %dma_start3A_114] : memref<2x128x10000xf32, #tpu.memory_space<hbm>> -> memref<1x1x10000xf32, #tpu.memory_space<hbm>>
      %dma_start3A_116 = tpu.memref_squeeze %dma_start3A_115 : memref<1x1x10000xf32, #tpu.memory_space<hbm>> -> memref<10000xf32, #tpu.memory_space<hbm>>
      tpu.enqueue_dma source(%arg10 : memref<10000xf32, #tpu.memory_space<vmem>>) target(%dma_start3A_116 : memref<10000xf32, #tpu.memory_space<hbm>>) target_semaphore(%run_scoped3A : memref<!tpu.dma_semaphore, #tpu.memory_space<semaphore_mem>>)
      %dma_wait3A_117 = arith.constant 0 : i32
      %dma_wait3A_118 = tpu.memref_slice %arg5[%arg0, %add3A_88, %dma_wait3A_117] : memref<2x128x10000xf32, #tpu.memory_space<hbm>> -> memref<1x1x10000xf32, #tpu.memory_space<hbm>>
      %dma_wait3A_119 = tpu.memref_squeeze %dma_wait3A_118 : memref<1x1x10000xf32, #tpu.memory_space<hbm>> -> memref<10000xf32, #tpu.memory_space<hbm>>
      %dma_wait3A_120 = arith.constant 0 : i32
      %dma_wait3A_121 = tpu.memref_slice %arg5[%arg0, %add3A_88, %dma_wait3A_120] : memref<2x128x10000xf32, #tpu.memory_space<hbm>> -> memref<1x1x10000xf32, #tpu.memory_space<hbm>>
      %dma_wait3A_122 = tpu.memref_squeeze %dma_wait3A_121 : memref<1x1x10000xf32, #tpu.memory_space<hbm>> -> memref<10000xf32, #tpu.memory_space<hbm>>
      tpu.wait_dma2 semaphore(%run_scoped3A : memref<!tpu.dma_semaphore, #tpu.memory_space<semaphore_mem>>) src(%arg10 : memref<10000xf32, #tpu.memory_space<vmem>>) dst(%dma_wait3A_122 : memref<10000xf32, #tpu.memory_space<hbm>>)
      tpu.yield
    }) : () -> ()
    %add3A_89 = arith.constant 64 : i32
    %add3A_90 = arith.addi %add3A_89, %mul3A_0 : i32
    %add3A_91 = arith.constant 0 : i32
    %add3A_92 = arith.addi %add3A_90, %add3A_91 : i32
    "tpu.region"() ({
      %run_scoped3A = tpu.sem_alloc : memref<!tpu.dma_semaphore, #tpu.memory_space<semaphore_mem>>
      %dma_start3A_111 = arith.constant 0 : i32
      %dma_start3A_112 = tpu.memref_slice %arg5[%arg0, %add3A_92, %dma_start3A_111] : memref<2x128x10000xf32, #tpu.memory_space<hbm>> -> memref<1x1x10000xf32, #tpu.memory_space<hbm>>
      %dma_start3A_113 = tpu.memref_squeeze %dma_start3A_112 : memref<1x1x10000xf32, #tpu.memory_space<hbm>> -> memref<10000xf32, #tpu.memory_space<hbm>>
      %dma_start3A_114 = arith.constant 0 : i32
      %dma_start3A_115 = tpu.memref_slice %arg5[%arg0, %add3A_92, %dma_start3A_114] : memref<2x128x10000xf32, #tpu.memory_space<hbm>> -> memref<1x1x10000xf32, #tpu.memory_space<hbm>>
      %dma_start3A_116 = tpu.memref_squeeze %dma_start3A_115 : memref<1x1x10000xf32, #tpu.memory_space<hbm>> -> memref<10000xf32, #tpu.memory_space<hbm>>
      tpu.enqueue_dma source(%arg11 : memref<10000xf32, #tpu.memory_space<vmem>>) target(%dma_start3A_116 : memref<10000xf32, #tpu.memory_space<hbm>>) target_semaphore(%run_scoped3A : memref<!tpu.dma_semaphore, #tpu.memory_space<semaphore_mem>>)
      %dma_wait3A_117 = arith.constant 0 : i32
      %dma_wait3A_118 = tpu.memref_slice %arg5[%arg0, %add3A_92, %dma_wait3A_117] : memref<2x128x10000xf32, #tpu.memory_space<hbm>> -> memref<1x1x10000xf32, #tpu.memory_space<hbm>>
      %dma_wait3A_119 = tpu.memref_squeeze %dma_wait3A_118 : memref<1x1x10000xf32, #tpu.memory_space<hbm>> -> memref<10000xf32, #tpu.memory_space<hbm>>
      %dma_wait3A_120 = arith.constant 0 : i32
      %dma_wait3A_121 = tpu.memref_slice %arg5[%arg0, %add3A_92, %dma_wait3A_120] : memref<2x128x10000xf32, #tpu.memory_space<hbm>> -> memref<1x1x10000xf32, #tpu.memory_space<hbm>>
      %dma_wait3A_122 = tpu.memref_squeeze %dma_wait3A_121 : memref<1x1x10000xf32, #tpu.memory_space<hbm>> -> memref<10000xf32, #tpu.memory_space<hbm>>
      tpu.wait_dma2 semaphore(%run_scoped3A : memref<!tpu.dma_semaphore, #tpu.memory_space<semaphore_mem>>) src(%arg11 : memref<10000xf32, #tpu.memory_space<vmem>>) dst(%dma_wait3A_122 : memref<10000xf32, #tpu.memory_space<hbm>>)
      tpu.yield
    }) : () -> ()
    %add3A_93 = arith.constant 1 : i32
    %add3A_94 = arith.addi %mul3A_0, %add3A_93 : i32
    "tpu.region"() ({
      %run_scoped3A = tpu.sem_alloc : memref<!tpu.dma_semaphore, #tpu.memory_space<semaphore_mem>>
      %dma_start3A_111 = arith.constant 0 : i32
      %dma_start3A_112 = tpu.memref_slice %arg5[%arg0, %add3A_94, %dma_start3A_111] : memref<2x128x10000xf32, #tpu.memory_space<hbm>> -> memref<1x1x10000xf32, #tpu.memory_space<hbm>>
      %dma_start3A_113 = tpu.memref_squeeze %dma_start3A_112 : memref<1x1x10000xf32, #tpu.memory_space<hbm>> -> memref<10000xf32, #tpu.memory_space<hbm>>
      %dma_start3A_114 = arith.constant 0 : i32
      %dma_start3A_115 = tpu.memref_slice %arg5[%arg0, %add3A_94, %dma_start3A_114] : memref<2x128x10000xf32, #tpu.memory_space<hbm>> -> memref<1x1x10000xf32, #tpu.memory_space<hbm>>
      %dma_start3A_116 = tpu.memref_squeeze %dma_start3A_115 : memref<1x1x10000xf32, #tpu.memory_space<hbm>> -> memref<10000xf32, #tpu.memory_space<hbm>>
      tpu.enqueue_dma source(%arg12 : memref<10000xf32, #tpu.memory_space<vmem>>) target(%dma_start3A_116 : memref<10000xf32, #tpu.memory_space<hbm>>) target_semaphore(%run_scoped3A : memref<!tpu.dma_semaphore, #tpu.memory_space<semaphore_mem>>)
      %dma_wait3A_117 = arith.constant 0 : i32
      %dma_wait3A_118 = tpu.memref_slice %arg5[%arg0, %add3A_94, %dma_wait3A_117] : memref<2x128x10000xf32, #tpu.memory_space<hbm>> -> memref<1x1x10000xf32, #tpu.memory_space<hbm>>
      %dma_wait3A_119 = tpu.memref_squeeze %dma_wait3A_118 : memref<1x1x10000xf32, #tpu.memory_space<hbm>> -> memref<10000xf32, #tpu.memory_space<hbm>>
      %dma_wait3A_120 = arith.constant 0 : i32
      %dma_wait3A_121 = tpu.memref_slice %arg5[%arg0, %add3A_94, %dma_wait3A_120] : memref<2x128x10000xf32, #tpu.memory_space<hbm>> -> memref<1x1x10000xf32, #tpu.memory_space<hbm>>
      %dma_wait3A_122 = tpu.memref_squeeze %dma_wait3A_121 : memref<1x1x10000xf32, #tpu.memory_space<hbm>> -> memref<10000xf32, #tpu.memory_space<hbm>>
      tpu.wait_dma2 semaphore(%run_scoped3A : memref<!tpu.dma_semaphore, #tpu.memory_space<semaphore_mem>>) src(%arg12 : memref<10000xf32, #tpu.memory_space<vmem>>) dst(%dma_wait3A_122 : memref<10000xf32, #tpu.memory_space<hbm>>)
      tpu.yield
    }) : () -> ()
    %add3A_95 = arith.constant 64 : i32
    %add3A_96 = arith.addi %add3A_95, %mul3A_0 : i32
    %add3A_97 = arith.constant 1 : i32
    %add3A_98 = arith.addi %add3A_96, %add3A_97 : i32
    "tpu.region"() ({
      %run_scoped3A = tpu.sem_alloc : memref<!tpu.dma_semaphore, #tpu.memory_space<semaphore_mem>>
      %dma_start3A_111 = arith.constant 0 : i32
      %dma_start3A_112 = tpu.memref_slice %arg5[%arg0, %add3A_98, %dma_start3A_111] : memref<2x128x10000xf32, #tpu.memory_space<hbm>> -> memref<1x1x10000xf32, #tpu.memory_space<hbm>>
      %dma_start3A_113 = tpu.memref_squeeze %dma_start3A_112 : memref<1x1x10000xf32, #tpu.memory_space<hbm>> -> memref<10000xf32, #tpu.memory_space<hbm>>
      %dma_start3A_114 = arith.constant 0 : i32
      %dma_start3A_115 = tpu.memref_slice %arg5[%arg0, %add3A_98, %dma_start3A_114] : memref<2x128x10000xf32, #tpu.memory_space<hbm>> -> memref<1x1x10000xf32, #tpu.memory_space<hbm>>
      %dma_start3A_116 = tpu.memref_squeeze %dma_start3A_115 : memref<1x1x10000xf32, #tpu.memory_space<hbm>> -> memref<10000xf32, #tpu.memory_space<hbm>>
      tpu.enqueue_dma source(%arg13 : memref<10000xf32, #tpu.memory_space<vmem>>) target(%dma_start3A_116 : memref<10000xf32, #tpu.memory_space<hbm>>) target_semaphore(%run_scoped3A : memref<!tpu.dma_semaphore, #tpu.memory_space<semaphore_mem>>)
      %dma_wait3A_117 = arith.constant 0 : i32
      %dma_wait3A_118 = tpu.memref_slice %arg5[%arg0, %add3A_98, %dma_wait3A_117] : memref<2x128x10000xf32, #tpu.memory_space<hbm>> -> memref<1x1x10000xf32, #tpu.memory_space<hbm>>
      %dma_wait3A_119 = tpu.memref_squeeze %dma_wait3A_118 : memref<1x1x10000xf32, #tpu.memory_space<hbm>> -> memref<10000xf32, #tpu.memory_space<hbm>>
      %dma_wait3A_120 = arith.constant 0 : i32
      %dma_wait3A_121 = tpu.memref_slice %arg5[%arg0, %add3A_98, %dma_wait3A_120] : memref<2x128x10000xf32, #tpu.memory_space<hbm>> -> memref<1x1x10000xf32, #tpu.memory_space<hbm>>
      %dma_wait3A_122 = tpu.memref_squeeze %dma_wait3A_121 : memref<1x1x10000xf32, #tpu.memory_space<hbm>> -> memref<10000xf32, #tpu.memory_space<hbm>>
      tpu.wait_dma2 semaphore(%run_scoped3A : memref<!tpu.dma_semaphore, #tpu.memory_space<semaphore_mem>>) src(%arg13 : memref<10000xf32, #tpu.memory_space<vmem>>) dst(%dma_wait3A_122 : memref<10000xf32, #tpu.memory_space<hbm>>)
      tpu.yield
    }) : () -> ()
    %add3A_99 = arith.constant 2 : i32
    %add3A_100 = arith.addi %mul3A_0, %add3A_99 : i32
    "tpu.region"() ({
      %run_scoped3A = tpu.sem_alloc : memref<!tpu.dma_semaphore, #tpu.memory_space<semaphore_mem>>
      %dma_start3A_111 = arith.constant 0 : i32
      %dma_start3A_112 = tpu.memref_slice %arg5[%arg0, %add3A_100, %dma_start3A_111] : memref<2x128x10000xf32, #tpu.memory_space<hbm>> -> memref<1x1x10000xf32, #tpu.memory_space<hbm>>
      %dma_start3A_113 = tpu.memref_squeeze %dma_start3A_112 : memref<1x1x10000xf32, #tpu.memory_space<hbm>> -> memref<10000xf32, #tpu.memory_space<hbm>>
      %dma_start3A_114 = arith.constant 0 : i32
      %dma_start3A_115 = tpu.memref_slice %arg5[%arg0, %add3A_100, %dma_start3A_114] : memref<2x128x10000xf32, #tpu.memory_space<hbm>> -> memref<1x1x10000xf32, #tpu.memory_space<hbm>>
      %dma_start3A_116 = tpu.memref_squeeze %dma_start3A_115 : memref<1x1x10000xf32, #tpu.memory_space<hbm>> -> memref<10000xf32, #tpu.memory_space<hbm>>
      tpu.enqueue_dma source(%arg14 : memref<10000xf32, #tpu.memory_space<vmem>>) target(%dma_start3A_116 : memref<10000xf32, #tpu.memory_space<hbm>>) target_semaphore(%run_scoped3A : memref<!tpu.dma_semaphore, #tpu.memory_space<semaphore_mem>>)
      %dma_wait3A_117 = arith.constant 0 : i32
      %dma_wait3A_118 = tpu.memref_slice %arg5[%arg0, %add3A_100, %dma_wait3A_117] : memref<2x128x10000xf32, #tpu.memory_space<hbm>> -> memref<1x1x10000xf32, #tpu.memory_space<hbm>>
      %dma_wait3A_119 = tpu.memref_squeeze %dma_wait3A_118 : memref<1x1x10000xf32, #tpu.memory_space<hbm>> -> memref<10000xf32, #tpu.memory_space<hbm>>
      %dma_wait3A_120 = arith.constant 0 : i32
      %dma_wait3A_121 = tpu.memref_slice %arg5[%arg0, %add3A_100, %dma_wait3A_120] : memref<2x128x10000xf32, #tpu.memory_space<hbm>> -> memref<1x1x10000xf32, #tpu.memory_space<hbm>>
      %dma_wait3A_122 = tpu.memref_squeeze %dma_wait3A_121 : memref<1x1x10000xf32, #tpu.memory_space<hbm>> -> memref<10000xf32, #tpu.memory_space<hbm>>
      tpu.wait_dma2 semaphore(%run_scoped3A : memref<!tpu.dma_semaphore, #tpu.memory_space<semaphore_mem>>) src(%arg14 : memref<10000xf32, #tpu.memory_space<vmem>>) dst(%dma_wait3A_122 : memref<10000xf32, #tpu.memory_space<hbm>>)
      tpu.yield
    }) : () -> ()
    %add3A_101 = arith.constant 64 : i32
    %add3A_102 = arith.addi %add3A_101, %mul3A_0 : i32
    %add3A_103 = arith.constant 2 : i32
    %add3A_104 = arith.addi %add3A_102, %add3A_103 : i32
    "tpu.region"() ({
      %run_scoped3A = tpu.sem_alloc : memref<!tpu.dma_semaphore, #tpu.memory_space<semaphore_mem>>
      %dma_start3A_111 = arith.constant 0 : i32
      %dma_start3A_112 = tpu.memref_slice %arg5[%arg0, %add3A_104, %dma_start3A_111] : memref<2x128x10000xf32, #tpu.memory_space<hbm>> -> memref<1x1x10000xf32, #tpu.memory_space<hbm>>
      %dma_start3A_113 = tpu.memref_squeeze %dma_start3A_112 : memref<1x1x10000xf32, #tpu.memory_space<hbm>> -> memref<10000xf32, #tpu.memory_space<hbm>>
      %dma_start3A_114 = arith.constant 0 : i32
      %dma_start3A_115 = tpu.memref_slice %arg5[%arg0, %add3A_104, %dma_start3A_114] : memref<2x128x10000xf32, #tpu.memory_space<hbm>> -> memref<1x1x10000xf32, #tpu.memory_space<hbm>>
      %dma_start3A_116 = tpu.memref_squeeze %dma_start3A_115 : memref<1x1x10000xf32, #tpu.memory_space<hbm>> -> memref<10000xf32, #tpu.memory_space<hbm>>
      tpu.enqueue_dma source(%arg15 : memref<10000xf32, #tpu.memory_space<vmem>>) target(%dma_start3A_116 : memref<10000xf32, #tpu.memory_space<hbm>>) target_semaphore(%run_scoped3A : memref<!tpu.dma_semaphore, #tpu.memory_space<semaphore_mem>>)
      %dma_wait3A_117 = arith.constant 0 : i32
      %dma_wait3A_118 = tpu.memref_slice %arg5[%arg0, %add3A_104, %dma_wait3A_117] : memref<2x128x10000xf32, #tpu.memory_space<hbm>> -> memref<1x1x10000xf32, #tpu.memory_space<hbm>>
      %dma_wait3A_119 = tpu.memref_squeeze %dma_wait3A_118 : memref<1x1x10000xf32, #tpu.memory_space<hbm>> -> memref<10000xf32, #tpu.memory_space<hbm>>
      %dma_wait3A_120 = arith.constant 0 : i32
      %dma_wait3A_121 = tpu.memref_slice %arg5[%arg0, %add3A_104, %dma_wait3A_120] : memref<2x128x10000xf32, #tpu.memory_space<hbm>> -> memref<1x1x10000xf32, #tpu.memory_space<hbm>>
      %dma_wait3A_122 = tpu.memref_squeeze %dma_wait3A_121 : memref<1x1x10000xf32, #tpu.memory_space<hbm>> -> memref<10000xf32, #tpu.memory_space<hbm>>
      tpu.wait_dma2 semaphore(%run_scoped3A : memref<!tpu.dma_semaphore, #tpu.memory_space<semaphore_mem>>) src(%arg15 : memref<10000xf32, #tpu.memory_space<vmem>>) dst(%dma_wait3A_122 : memref<10000xf32, #tpu.memory_space<hbm>>)
      tpu.yield
    }) : () -> ()
    %add3A_105 = arith.constant 3 : i32
    %add3A_106 = arith.addi %mul3A_0, %add3A_105 : i32
    "tpu.region"() ({
      %run_scoped3A = tpu.sem_alloc : memref<!tpu.dma_semaphore, #tpu.memory_space<semaphore_mem>>
      %dma_start3A_111 = arith.constant 0 : i32
      %dma_start3A_112 = tpu.memref_slice %arg5[%arg0, %add3A_106, %dma_start3A_111] : memref<2x128x10000xf32, #tpu.memory_space<hbm>> -> memref<1x1x10000xf32, #tpu.memory_space<hbm>>
      %dma_start3A_113 = tpu.memref_squeeze %dma_start3A_112 : memref<1x1x10000xf32, #tpu.memory_space<hbm>> -> memref<10000xf32, #tpu.memory_space<hbm>>
      %dma_start3A_114 = arith.constant 0 : i32
      %dma_start3A_115 = tpu.memref_slice %arg5[%arg0, %add3A_106, %dma_start3A_114] : memref<2x128x10000xf32, #tpu.memory_space<hbm>> -> memref<1x1x10000xf32, #tpu.memory_space<hbm>>
      %dma_start3A_116 = tpu.memref_squeeze %dma_start3A_115 : memref<1x1x10000xf32, #tpu.memory_space<hbm>> -> memref<10000xf32, #tpu.memory_space<hbm>>
      tpu.enqueue_dma source(%arg16 : memref<10000xf32, #tpu.memory_space<vmem>>) target(%dma_start3A_116 : memref<10000xf32, #tpu.memory_space<hbm>>) target_semaphore(%run_scoped3A : memref<!tpu.dma_semaphore, #tpu.memory_space<semaphore_mem>>)
      %dma_wait3A_117 = arith.constant 0 : i32
      %dma_wait3A_118 = tpu.memref_slice %arg5[%arg0, %add3A_106, %dma_wait3A_117] : memref<2x128x10000xf32, #tpu.memory_space<hbm>> -> memref<1x1x10000xf32, #tpu.memory_space<hbm>>
      %dma_wait3A_119 = tpu.memref_squeeze %dma_wait3A_118 : memref<1x1x10000xf32, #tpu.memory_space<hbm>> -> memref<10000xf32, #tpu.memory_space<hbm>>
      %dma_wait3A_120 = arith.constant 0 : i32
      %dma_wait3A_121 = tpu.memref_slice %arg5[%arg0, %add3A_106, %dma_wait3A_120] : memref<2x128x10000xf32, #tpu.memory_space<hbm>> -> memref<1x1x10000xf32, #tpu.memory_space<hbm>>
      %dma_wait3A_122 = tpu.memref_squeeze %dma_wait3A_121 : memref<1x1x10000xf32, #tpu.memory_space<hbm>> -> memref<10000xf32, #tpu.memory_space<hbm>>
      tpu.wait_dma2 semaphore(%run_scoped3A : memref<!tpu.dma_semaphore, #tpu.memory_space<semaphore_mem>>) src(%arg16 : memref<10000xf32, #tpu.memory_space<vmem>>) dst(%dma_wait3A_122 : memref<10000xf32, #tpu.memory_space<hbm>>)
      tpu.yield
    }) : () -> ()
    %add3A_107 = arith.constant 64 : i32
    %add3A_108 = arith.addi %add3A_107, %mul3A_0 : i32
    %add3A_109 = arith.constant 3 : i32
    %add3A_110 = arith.addi %add3A_108, %add3A_109 : i32
    "tpu.region"() ({
      %run_scoped3A = tpu.sem_alloc : memref<!tpu.dma_semaphore, #tpu.memory_space<semaphore_mem>>
      %dma_start3A_111 = arith.constant 0 : i32
      %dma_start3A_112 = tpu.memref_slice %arg5[%arg0, %add3A_110, %dma_start3A_111] : memref<2x128x10000xf32, #tpu.memory_space<hbm>> -> memref<1x1x10000xf32, #tpu.memory_space<hbm>>
      %dma_start3A_113 = tpu.memref_squeeze %dma_start3A_112 : memref<1x1x10000xf32, #tpu.memory_space<hbm>> -> memref<10000xf32, #tpu.memory_space<hbm>>
      %dma_start3A_114 = arith.constant 0 : i32
      %dma_start3A_115 = tpu.memref_slice %arg5[%arg0, %add3A_110, %dma_start3A_114] : memref<2x128x10000xf32, #tpu.memory_space<hbm>> -> memref<1x1x10000xf32, #tpu.memory_space<hbm>>
      %dma_start3A_116 = tpu.memref_squeeze %dma_start3A_115 : memref<1x1x10000xf32, #tpu.memory_space<hbm>> -> memref<10000xf32, #tpu.memory_space<hbm>>
      tpu.enqueue_dma source(%arg17 : memref<10000xf32, #tpu.memory_space<vmem>>) target(%dma_start3A_116 : memref<10000xf32, #tpu.memory_space<hbm>>) target_semaphore(%run_scoped3A : memref<!tpu.dma_semaphore, #tpu.memory_space<semaphore_mem>>)
      %dma_wait3A_117 = arith.constant 0 : i32
      %dma_wait3A_118 = tpu.memref_slice %arg5[%arg0, %add3A_110, %dma_wait3A_117] : memref<2x128x10000xf32, #tpu.memory_space<hbm>> -> memref<1x1x10000xf32, #tpu.memory_space<hbm>>
      %dma_wait3A_119 = tpu.memref_squeeze %dma_wait3A_118 : memref<1x1x10000xf32, #tpu.memory_space<hbm>> -> memref<10000xf32, #tpu.memory_space<hbm>>
      %dma_wait3A_120 = arith.constant 0 : i32
      %dma_wait3A_121 = tpu.memref_slice %arg5[%arg0, %add3A_110, %dma_wait3A_120] : memref<2x128x10000xf32, #tpu.memory_space<hbm>> -> memref<1x1x10000xf32, #tpu.memory_space<hbm>>
      %dma_wait3A_122 = tpu.memref_squeeze %dma_wait3A_121 : memref<1x1x10000xf32, #tpu.memory_space<hbm>> -> memref<10000xf32, #tpu.memory_space<hbm>>
      tpu.wait_dma2 semaphore(%run_scoped3A : memref<!tpu.dma_semaphore, #tpu.memory_space<semaphore_mem>>) src(%arg17 : memref<10000xf32, #tpu.memory_space<vmem>>) dst(%dma_wait3A_122 : memref<10000xf32, #tpu.memory_space<hbm>>)
      tpu.yield
    }) : () -> ()
    return
  }
}

module attributes {stable_mosaic.version = 14 : i64} {
  func.func @_sum_t_body(%arg0: i32, %arg1: memref<2x128x2048xf32, #tpu.memory_space<vmem>>, %arg2: memref<128x128xf32, #tpu.memory_space<vmem>>, %arg3: memref<2048x128xf32, #tpu.memory_space<vmem>>) attributes {dimension_semantics = [#tpu.dimension_semantics<arbitrary>], iteration_bounds = array<i64: 5>, scalar_prefetch = 0 : i64, scratch_operands = 0 : i64, tpu.core_type = #tpu.core_type<tc>, window_params = [{transform_indices = @transform_0, window_bounds = array<i64: 2, 128, 2048>}, {pipeline_mode = #tpu.pipeline_mode<synchronous>, transform_indices = @transform_1, window_bounds = array<i64: 128, 128>}, {transform_indices = @transform_2, window_bounds = array<i64: 2048, 128>}]} {
    %get3A = arith.constant 0 : index
    %get3A_0 = arith.constant 0 : index
    %get3A_1 = arith.constant 0 : index
    %get3A_2 = vector.load %arg1[%get3A, %get3A_0, %get3A_1] : memref<2x128x2048xf32, #tpu.memory_space<vmem>>, vector<1x128x2048xf32>
    %get3A_3 = vector.shape_cast %get3A_2 : vector<1x128x2048xf32> to vector<128x2048xf32>
    %get3A_4 = arith.constant 1 : index
    %get3A_5 = arith.constant 0 : index
    %get3A_6 = arith.constant 0 : index
    %get3A_7 = vector.load %arg1[%get3A_4, %get3A_5, %get3A_6] : memref<2x128x2048xf32, #tpu.memory_space<vmem>>, vector<1x128x2048xf32>
    %get3A_8 = vector.shape_cast %get3A_7 : vector<1x128x2048xf32> to vector<128x2048xf32>
    %add3A = arith.addf %get3A_3, %get3A_8 : vector<128x2048xf32>
    %get3A_9 = arith.constant 0 : index
    %get3A_10 = arith.constant 0 : index
    %get3A_11 = vector.load %arg2[%get3A_9, %get3A_10] : memref<128x128xf32, #tpu.memory_space<vmem>>, vector<128x128xf32>
    %dot_general3A = arith.constant dense<0.000000e+00> : vector<2048x128xf32>
    %dot_general3A_12 = tpu.matmul %add3A, %get3A_11, %dot_general3A {dimension_numbers = #tpu.dot_dimension_numbers<[0], [0], [1], [1], [0, 1, 1, 1], [], []>, transpose_lhs_hint = false} : vector<128x2048xf32>, vector<128x128xf32>, vector<2048x128xf32> -> vector<2048x128xf32>
    %swap3A = arith.constant 0 : index
    %swap3A_13 = arith.constant 0 : index
    %swap3A_14 = vector.load %arg3[%swap3A, %swap3A_13] : memref<2048x128xf32, #tpu.memory_space<vmem>>, vector<2048x128xf32>
    tpu.vector_store %arg3[%swap3A, %swap3A_13], %dot_general3A_12 {strides = array<i32>} : memref<2048x128xf32, #tpu.memory_space<vmem>>, vector<2048x128xf32>,
    return
  }
  func.func @transform_0(%arg0: i32) -> (i32, i32, i32) {
    %c0_i32 = arith.constant 0 : i32
    %c0_i32_0 = arith.constant 0 : i32
    %c0_i32_1 = arith.constant 0 : i32
    return %c0_i32, %c0_i32_0, %arg0 : i32, i32, i32
  }
  func.func @transform_1(%arg0: i32) -> (i32, i32) {
    %c0_i32 = arith.constant 0 : i32
    %c0_i32_0 = arith.constant 0 : i32
    %c0_i32_1 = arith.constant 0 : i32
    return %c0_i32, %c0_i32_0 : i32, i32
  }
  func.func @transform_2(%arg0: i32) -> (i32, i32) {
    %c0_i32 = arith.constant 0 : i32
    %c0_i32_0 = arith.constant 0 : i32
    return %arg0, %c0_i32 : i32, i32
  }
}

module attributes {stable_mosaic.version = 14 : i64} {
  func.func @_prep_body(%arg0: i32, %arg1: memref<2048x128xf32, #tpu.memory_space<vmem>>, %arg2: memref<128x128xf32, #tpu.memory_space<vmem>>, %arg3: memref<2x64512xi32, #tpu.memory_space<vmem>>, %arg4: memref<64x2048xi32, #tpu.memory_space<vmem>>, %arg5: memref<64512xi32, #tpu.memory_space<vmem>>) attributes {dimension_semantics = [#tpu.dimension_semantics<arbitrary>], iteration_bounds = array<i64: 5>, scalar_prefetch = 0 : i64, scratch_operands = 0 : i64, tpu.core_type = #tpu.core_type<tc>, window_params = [{transform_indices = @transform_0, window_bounds = array<i64: 2048, 128>}, {pipeline_mode = #tpu.pipeline_mode<synchronous>, transform_indices = @transform_1, window_bounds = array<i64: 128, 128>}, {transform_indices = @transform_2, window_bounds = array<i64: 2, 64512>}, {transform_indices = @transform_3, window_bounds = array<i64: 64, 2048>}, {transform_indices = @transform_4, window_bounds = array<i64: 64512>}]} {
    %get3A = arith.constant 0 : index
    %get3A_0 = arith.constant 0 : index
    %get3A_1 = vector.load %arg2[%get3A, %get3A_0] : memref<128x128xf32, #tpu.memory_space<vmem>>, vector<128x128xf32>
    %get3A_2 = arith.constant 0 : index
    %get3A_3 = arith.constant 0 : index
    %get3A_4 = vector.load %arg1[%get3A_2, %get3A_3] : memref<2048x128xf32, #tpu.memory_space<vmem>>, vector<2048x128xf32>
    %dot_general3A = arith.constant dense<0.000000e+00> : vector<128x2048xf32>
    %dot_general3A_5 = tpu.matmul %get3A_1, %get3A_4, %dot_general3A {dimension_numbers = #tpu.dot_dimension_numbers<[0], [1], [1], [0], [0, 1, 1, 0], [], []>, transpose_lhs_hint = false} : vector<128x128xf32>, vector<2048x128xf32>, vector<128x2048xf32> -> vector<128x2048xf32>
    %slice3A = vector.extract_strided_slice %dot_general3A_5 {offsets = [0, 0], sizes = [64, 2048], strides = [1, 1]} : vector<128x2048xf32> to vector<64x2048xf32>
    %bitcast_convert_type3A = tpu.bitcast %slice3A : vector<64x2048xf32> -> vector<64x2048xi32>
    %slice3A_6 = vector.extract_strided_slice %dot_general3A_5 {offsets = [64, 0], sizes = [64, 2048], strides = [1, 1]} : vector<128x2048xf32> to vector<64x2048xf32>
    %bitcast_convert_type3A_7 = tpu.bitcast %slice3A_6 : vector<64x2048xf32> -> vector<64x2048xi32>
    %add3A = arith.constant 32768 : i32
    %add3A_8 = vector.broadcast %add3A : i32 to vector<64x2048xi32>
    %add3A_9 = arith.addi %bitcast_convert_type3A, %add3A_8 : vector<64x2048xi32>
    %shift_right_logical3A = arith.constant 16 : i32
    %shift_right_logical3A_10 = vector.broadcast %shift_right_logical3A : i32 to vector<64x2048xi32>
    %shift_right_logical3A_11 = arith.shrui %add3A_9, %shift_right_logical3A_10 : vector<64x2048xi32>
    %add3A_12 = arith.constant 32768 : i32
    %add3A_13 = vector.broadcast %add3A_12 : i32 to vector<64x2048xi32>
    %add3A_14 = arith.addi %bitcast_convert_type3A_7, %add3A_13 : vector<64x2048xi32>
    %shift_right_logical3A_15 = arith.constant 16 : i32
    %shift_right_logical3A_16 = vector.broadcast %shift_right_logical3A_15 : i32 to vector<64x2048xi32>
    %shift_right_logical3A_17 = arith.shrui %add3A_14, %shift_right_logical3A_16 : vector<64x2048xi32>
    %shift_left3A = arith.constant 16 : i32
    %shift_left3A_18 = vector.broadcast %shift_left3A : i32 to vector<64x2048xi32>
    %shift_left3A_19 = arith.shli %shift_right_logical3A_17, %shift_left3A_18 : vector<64x2048xi32>
    %or3A = arith.ori %shift_right_logical3A_11, %shift_left3A_19 : vector<64x2048xi32>
    %bitcast_convert_type3A_20 = tpu.bitcast %or3A : vector<64x2048xi32> -> vector<64x2048xi32>
    %swap3A = arith.constant 0 : index
    %swap3A_21 = arith.constant 0 : index
    %swap3A_22 = vector.load %arg4[%swap3A, %swap3A_21] : memref<64x2048xi32, #tpu.memory_space<vmem>>, vector<64x2048xi32>
    tpu.vector_store %arg4[%swap3A, %swap3A_21], %bitcast_convert_type3A_20 {strides = array<i32>} : memref<64x2048xi32, #tpu.memory_space<vmem>>, vector<64x2048xi32>,
    %get3A_23 = arith.constant 0 : index
    %get3A_24 = arith.constant 0 : index
    %get3A_25 = vector.load %arg3[%get3A_23, %get3A_24] : memref<2x64512xi32, #tpu.memory_space<vmem>>, vector<1x64512xi32>
    %get3A_26 = vector.shape_cast %get3A_25 : vector<1x64512xi32> to vector<64512xi32>
    %get3A_27 = arith.constant 1 : index
    %get3A_28 = arith.constant 0 : index
    %get3A_29 = vector.load %arg3[%get3A_27, %get3A_28] : memref<2x64512xi32, #tpu.memory_space<vmem>>, vector<1x64512xi32>
    %get3A_30 = vector.shape_cast %get3A_29 : vector<1x64512xi32> to vector<64512xi32>
    %shift_left3A_31 = arith.constant 16 : i32
    %shift_left3A_32 = vector.broadcast %shift_left3A_31 : i32 to vector<64512xi32>
    %shift_left3A_33 = arith.shli %get3A_30, %shift_left3A_32 : vector<64512xi32>
    %or3A_34 = arith.ori %get3A_26, %shift_left3A_33 : vector<64512xi32>
    %swap3A_35 = arith.constant 0 : index
    %swap3A_36 = vector.load %arg5[%swap3A_35] : memref<64512xi32, #tpu.memory_space<vmem>>, vector<64512xi32>
    tpu.vector_store %arg5[%swap3A_35], %or3A_34 {strides = array<i32>} : memref<64512xi32, #tpu.memory_space<vmem>>, vector<64512xi32>,
    return
  }
  func.func @transform_0(%arg0: i32) -> (i32, i32) {
    %c0_i32 = arith.constant 0 : i32
    %c0_i32_0 = arith.constant 0 : i32
    return %arg0, %c0_i32 : i32, i32
  }
  func.func @transform_1(%arg0: i32) -> (i32, i32) {
    %c0_i32 = arith.constant 0 : i32
    %c0_i32_0 = arith.constant 0 : i32
    %c0_i32_1 = arith.constant 0 : i32
    return %c0_i32, %c0_i32_0 : i32, i32
  }
  func.func @transform_2(%arg0: i32) -> (i32, i32) {
    %c0_i32 = arith.constant 0 : i32
    %c0_i32_0 = arith.constant 0 : i32
    return %c0_i32, %arg0 : i32, i32
  }
  func.func @transform_3(%arg0: i32) -> (i32, i32) {
    %c0_i32 = arith.constant 0 : i32
    %c0_i32_0 = arith.constant 0 : i32
    return %c0_i32, %arg0 : i32, i32
  }
  func.func @transform_4(%arg0: i32) -> i32 {
    %c0_i32 = arith.constant 0 : i32
    return %arg0 : i32
  }
}

</mosaic_0001>

<sc_bundles>
// kernel: kernel.5.cloned.1.call-start
scs
__scs_entry_jumppad:
0x0: {  	(pc) =	sbr.rel $0x88, $3  }
0x1: {  	(tag) =	ssettag $0x0;
	lr =	simm.s32 $0x1  }
0x2: {  	[smem:$0x3F9C] =	sst lr;
	_ =	strace $0xD0000000  }
0x3: {  	_ = 	snop  }
0x4: {  	_ = 	snop  }
0x5: {  	_ = 	snop  }
0x6: {  	_ = 	snop  }
0x7: {  	_ = 	snop  }
__scs_overlays_trampoline_lowered:
0x8: {  	[smem:$0x3FAB] =	sst s0  }
0x9: {  	[smem:$0x3FAC] =	sst s1  }
0xa: {  	[smem:$0x3FAD] =	sst s2  }
0xb: {  	[smem:$0x3FAE] =	sst s3  }
0xc: {  	[smem:$0x3FAF] =	sst s4  }
0xd: {  	[smem:$0x3FB0] =	sst s5  }
0xe: {  	[smem:$0x3FB1] =	sst s6  }
0xf: {  	[smem:$0x3FB2] =	sst s7  }
0x10: {  	[smem:$0x3FB3] =	sst s8  }
0x11: {  	[smem:$0x3FB4] =	sst s9;
	s0 =	simm.s32 @!p0 $0x0  }
0x12: {  	s1 =	sld [smem:$0x3F9A];
	s0 =	simm.s32 @p0 $0x1  }
0x13: {  	[smem:$0x3FB5] =	sst s0;
	s0 =	simm.s32 @!p1 $0x0  }
0x14: {  	s2 =	sld [smem:$0x3F99];
	s0 =	simm.s32 @p1 $0x1  }
0x15: {  	[smem:$0x3FB6] =	sst s0;
	s0 =	simm.s32 @!p2 $0x0  }
0x16: {  	s3 =	sld [smem:$0x3FDB];
	s0 =	simm.s32 @p2 $0x1  }
0x17: {  	s4 =	simm.s32 $0x1BF5;
	[smem:$0x3FB8] =	sst s0  }
0x18: {  	s0 =	sld [smem:$0x3F9B];
	_ =	swait.ge [sflag:s4], $0x0  }
0x19: {  	s7 =	sld [smem:$0x3F9C]  }
0x1a: {  	s8 =	sadd.s32 $0xFFFFE003, lr  }
0x1b: {  	s9 =	sadd.s32 $0xFFFFFEF7, lr;
	s5 =	simm.s32 $0xFFFFFFFF;
	p2 =	slt.u32 s8, $0xFFFFF086  }
0x1c: {  	p1 =	slt.u32 s9, $0xF7A;
	s5 =	simm.s32 @!p2 $0x0  }
0x1d: {  	s5 =	simm.s32 @p1 $0x1;
	p0 =	seq.s32 s7, s2  }
0x1e: {  	s7 =	smul.u32 @!p0 $0xF7A, s2;
	p2 =	seq.s32 @!p0 s5, $0x0  }
0x1f: {  	s9 =	smul.u32 $0xF7A, s1;
	s8 =	simm.s32 @!p0 $0x1BF5;
	p2 =	por !p2, p0  }
0x20: {  	[sflag:s8] =	ssyncset.s32 @!p0 $0xFFFFF086;
	s6 =	sadd.s32 @!p0 s3, s7;
	s7 =	simm.s32 @!p0 $0x108  }
0x21: {  	s3 =	sadd.s32 s3, s9;
	s6 =	sadd.s32 @!p0 $0x88, s6;
	s7 =	simm.s32 @p2 $0x1082  }
0x22: {  	[simem:s7], [sflag:s8] =	dma.local @!p0 [hbm:s6], $0xF7A  }
0x23: {  	s9 =	sor.u32 $0xD0000000, s2;
	s6 =	simm.s32 $0x108;
	_ =	swait.ge @!p0 [sflag:s8], $0x0  }
0x24: {  	s3 =	sadd.s32 $0x88, s3;
	s6 =	simm.s32 @!p1 $0x1082;
	[sflag:s4] =	ssyncset.s32 $0xFFFFF086  }
0x25: {  	[simem:s6], [sflag:s4] =	dma.local [hbm:s3], $0xF7A  }
0x26: {  	[smem:$0x3F9C] =	sst s1;
	(tag) =	ssettag s2;
	_ =	strace s9  }
0x27: {  	s1 =	sld [smem:$0x3FAC]  }
0x28: {  	s2 =	sld [smem:$0x3FAD]  }
0x29: {  	s4 =	sld [smem:$0x3FAF]  }
0x2a: {  	p0 =	seq.s32 s5, $0x0;
	s5 =	sld [smem:$0x3FB0]  }
0x2b: {  	s6 =	sld [smem:$0x3FB1]  }
0x2c: {  	s7 =	sld [smem:$0x3FB2]  }
0x2d: {  	s3 =	simm.s32 $0x108;
	s8 =	sld [smem:$0x3FB3]  }
0x2e: {  	s3 =	simm.s32 @!p0 $0x1082;
	s9 =	sld [smem:$0x3FB4]  }
0x2f: {  	lr =	sadd.s32 s0, s3;
	s0 =	sld [smem:$0x3FAB]  }
0x30: {  	s3 =	sld [smem:$0x3FAE]  }
0x31: {  	[smem:$0x3FB7] =	sst s10  }
0x32: {  	s10 =	sld [smem:$0x3FB5];
	_ =	sdelay $0x3  }
0x33: {  	p0 =	seq.s32 s10, $0x1;
	s10 =	sld [smem:$0x3FB7];
	_ =	sdelay $0x3  }
0x34: {  	[smem:$0x3FB7] =	sst s10  }
0x35: {  	s10 =	sld [smem:$0x3FB6];
	_ =	sdelay $0x3  }
0x36: {  	p1 =	seq.s32 s10, $0x1;
	s10 =	sld [smem:$0x3FB7];
	_ =	sdelay $0x3  }
0x37: {  	[smem:$0x3FB7] =	sst s10  }
0x38: {  	s10 =	sld [smem:$0x3FB8]  }
0x39: {  	_ = 	snop;
	(pc) =	sbr.ind lr, $3  }
0x3a: {  	_ = 	snop  }
0x3b: {  	_ = 	snop  }
0x3c: {  	p2 =	seq.s32 s10, $0x1;
	s10 =	sld [smem:$0x3FB7]  }
0x3d: {  	_ =	shalt  }
0x3e: {  	_ =	shalt  }
0x3f: {  	_ =	shalt  }
0x40: {  	_ =	shalt  }
0x41: {  	_ =	shalt  }
0x42: {  	_ =	shalt  }
0x43: {  	_ =	shalt  }
0x44: {  	_ =	shalt  }
0x45: {  	_ =	shalt  }
0x46: {  	_ =	shalt  }
0x47: {  	_ =	shalt  }
0x48: {  	_ =	shalt  }
0x49: {  	_ =	shalt  }
0x4a: {  	_ =	shalt  }
0x4b: {  	_ =	shalt  }
0x4c: {  	_ =	shalt  }
0x4d: {  	_ =	shalt  }
0x4e: {  	_ =	shalt  }
0x4f: {  	_ =	shalt  }
0x50: {  	_ =	shalt  }
0x51: {  	_ =	shalt  }
0x52: {  	_ =	shalt  }
0x53: {  	_ =	shalt  }
0x54: {  	_ =	shalt  }
0x55: {  	_ =	shalt  }
0x56: {  	_ =	shalt  }
0x57: {  	_ =	shalt  }
0x58: {  	_ =	shalt  }
0x59: {  	_ =	shalt  }
0x5a: {  	_ =	shalt  }
0x5b: {  	_ =	shalt  }
0x5c: {  	_ =	shalt  }
0x5d: {  	_ =	shalt  }
0x5e: {  	_ =	shalt  }
0x5f: {  	_ =	shalt  }
0x60: {  	_ =	shalt  }
0x61: {  	_ =	shalt  }
0x62: {  	_ =	shalt  }
0x63: {  	_ =	shalt  }
0x64: {  	_ =	shalt  }
0x65: {  	_ =	shalt  }
0x66: {  	_ =	shalt  }
0x67: {  	_ =	shalt  }
0x68: {  	_ =	shalt  }
0x69: {  	_ =	shalt  }
0x6a: {  	_ =	shalt  }
0x6b: {  	_ =	shalt  }
0x6c: {  	_ =	shalt  }
0x6d: {  	_ =	shalt  }
0x6e: {  	_ =	shalt  }
0x6f: {  	_ =	shalt  }
0x70: {  	_ =	shalt  }
0x71: {  	_ =	shalt  }
0x72: {  	_ =	shalt  }
0x73: {  	_ =	shalt  }
0x74: {  	_ =	shalt  }
0x75: {  	_ =	shalt  }
0x76: {  	_ =	shalt  }
0x77: {  	_ =	shalt  }
0x78: {  	_ =	shalt  }
0x79: {  	_ =	shalt  }
0x7a: {  	_ =	shalt  }
0x7b: {  	_ =	shalt  }
0x7c: {  	_ =	shalt  }
0x7d: {  	_ =	shalt  }
0x7e: {  	_ =	shalt  }
0x7f: {  	_ =	shalt  }
0x80: {  	_ =	shalt  }
0x81: {  	_ =	shalt  }
0x82: {  	_ =	shalt  }
0x83: {  	_ =	shalt  }
0x84: {  	_ =	shalt  }
0x85: {  	_ =	shalt  }
0x86: {  	_ =	shalt  }
0x87: {  	_ =	shalt  }
.Lfunc_end0:
.L_simem_size_0:
called_computation_lowered:
.L_overlay_start_0:
0x88: {  	s2 =	sld [smem:$0x3FD9]  }
0x89: {  	s3 =	sld [smem:$0x3FFE];
	_ =	sdelay $0x1  }
0x8a: {  	s1 =	srdreg.scid  }
0x8b: {  	s0 =	sand.u32 $0x1, s1  }
0x8c: {  	s17 =	sshll.u32 s0, $0xA;
	s2 =	sadd.s32 s3, s2  }
0x8d: {  	s2 =	sadd.s32 s2, s17  }
0x8e: {  	[smem:$0x3FC3] =	sst s2  }
0x8f: {  	_ = 	snop  }
0x90: {  	s2 =	sld [smem:$0x3FC8]  }
0x91: {  	s18 =	sld [smem:$0x3FD0];
	(tm) =	ssettm $0x1  }
0x92: {  	s4 =	sld [smem:$0x3FFB];
	_ =	sdelay $0x3  }
0x93: {  	_ =	strace s4  }
0x94: {  	s4 =	sld [smem:$0x3FFC];
	_ =	sdelay $0x3  }
0x95: {  	_ =	strace s4  }
0x96: {  	s4 =	sld [smem:$0x3FFD];
	_ =	sdelay $0x3  }
0x97: {  	_ =	strace s4  }
0x98: {  	_ =	strace $0x8FFFFFFF  }
0x99: {  	s19 =	sld [smem:$0x3FDB];
	_ =	sdelay $0x1  }
0x9a: {  	s5 =	simm.s32 $_scs_section_size  }
0x9b: {  	s6 =	simm.s32 $_size__tile_overlayer_lowered;
	s7 =	simm.s32 $_tile_overlayer_lowered  }
0x9c: {  	s22 =	simm.s32 $0x1BFF;
	s21 =	sshll.u32 s7, $0x1;
	s4 =	sadd.s32 s5, s19  }
0x9d: {  	s8 =	simm.s32 $0x0;
	s20 =	sshll.u32 s6, $0x1;
	s6 =	sadd.s32 s21, s4  }
0x9e: {  	[timem:s8], [sflag:s22] =	dma.local [hbm:s6], s20  }
0x9f: {  	_ =	swait.ge [sflag:s22], s20  }
0xa0: {  	s5 =	ssub.s32 $0x0, s20;
	[sflag:s22] =	ssyncset.done $0x0  }
0xa1: {  	[sflag:s22] =	ssyncadd.s32 s5;
	_ =	sdelay $0x1  }
0xa2: {  	s23 =	simm.s32 $0x1B8B  }
0xa3: {  	_ =	swait.ge [sflag:s23], $0x1  }
0xa4: {  	[sflag:s23] =	ssyncset.done $0x0  }
0xa5: {  	s25 =	simm.s32 $0x1B8E;
	s24 =	sld [smem:$0x3FFE];
	[sflag:s23] =	ssyncadd.s32 $0xFFFFFFFF  }
0xa6: {  	s26 =	simm.s32 $execute0_lowered;
	[smem:$0x3FD2] =	sst s25  }
0xa7: {  	s6 =	sshll.u32 s26, $0x1;
	_ =	strace $0x80000046;
	[dreg:$0x1] =	wrdreg $0xFFFFFFFF  }
0xa8: {  	s28 =	simm.s32 $_size_execute0_lowered;
	s4 =	sadd.s32 s4, s6;
	[dreg:$0x0] =	wrdreg $0x0  }
0xa9: {  	s6 =	sshll.u32 s28, $0x1;
	[dreg:$0x2] =	wrdreg s4  }
0xaa: {  	[dreg:$0x3] =	wrdreg s6  }
0xab: {  	[dreg:$0x4] =	wrdreg $0xC0  }
0xac: {  	_ =	task [dreg:s8], $0x5FFFF  }
0xad: {  	[dreg:$0x1] =	wrdreg $0xFFFFFFFF  }
0xae: {  	[dreg:$0x0] =	wrdreg $0x60  }
0xaf: {  	[dreg:$0x2] =	wrdreg s18  }
0xb0: {  	[dreg:$0x3] =	wrdreg s24  }
0xb1: {  	[dreg:$0x4] =	wrdreg s2  }
0xb2: {  	[dreg:$0x5] =	wrdreg $0x9  }
0xb3: {  	_ =	task.clear_ibuf [dreg:s8], $0x6FFFF;
	_ =	strace $0x90000046  }
0xb4: {  	s29 =	simm.s32 $0x9;
	_ =	strace $0x80000048  }
0xb5: {  	_ =	swait.ge [sflag:s29], $0x1  }
0xb6: {  	[sflag:s29] =	ssyncadd.s32 $0xFFFFFFFF  }
0xb7: {  	_ =	strace $0x90000048  }
0xb8: {  	_ =	sfence  }
0xb9: {  	s30 =	sld [smem:$0x0];
	_ =	sdelay $0x2  }
0xba: {  	s31 =	sshll.u32 s1, $0xD;
	s1 =	sshrl.u32 s1, $0x2  }
0xbb: {  	s3 =	sand.u32 $0x4000, s31;
	s1 =	sadd.s32 s1, s30  }
0xbc: {  	s0 =	sor.u32 s3, s0;
	s1 =	sshll.u32 s1, $0x11  }
0xbd: {  	s0 =	sor.u32 s1, s0  }
0xbe: {  	s0 =	sadd.s32 $0x8F2B, s0  }
0xbf: {  	[sflag:s0] =	ssyncadd.remote.s32 $0x1  }
0xc0: {  	_ =	sfence.sel $0xFFFF  }
0xc1: {  	[dreg:$0x0] =	wrdreg $0xFFFFFFFF;
	(pc) =	sbr.abs _section_cstart, $3  }
0xc2: {  	[dreg:$0x1] =	wrdreg $0xFFFFFFFF  }
0xc3: {  	_ =	task.clear_ibuf [dreg:s8], $0x2FFFF;
	_ =	strace $0x9FFFFFFF  }
0xc4: {  	(tm) =	ssettm $0x7FFFFFFF  }
0xc5: {  	_ =	shalt  }
tec
execute0_lowered:
.L_overlay_start_1:
0x0: {  	(tag) =	ssettag $0x1  }
0x1: {  	s2 =	rddreg [dreg:$0x0]  }
0x2: {  	s0 =	rddreg [dreg:$0x1]  }
0x3: {  	s17 =	rddreg [dreg:$0x2];
	s3 =	simm.s32 $0x0  }
0x4: {  	s1 =	srdreg.scid;
	s10 =	stileid.u32;
	s28 =	simm.s32 $0x4F00  }
0x5: {  	s29 =	simm.s32 $0x7680;
	s30 =	simm.s32 $0x1;
	[smem:$0x7FF] =	sst s3  }
0x6: {  	s5 =	sand.u32 $0x1, s1;
	s24 =	sshrl.u32 s10, $0x1;
	s25 =	sshll.u32 s10, $0x9  }
0x7: {  	s4 =	sadd.s32 $0x1000, s0;
	s0 =	sadd.s32 $0xAE00, s0;
	s31 =	sshll.u32 s10, $0x2  }
0x8: {  	_ =	strace $0x80000047;
	s6 =	ssub.s32 $0x2, s5;
	s7 =	smul.u32 $0x13C00, s24  }
0x9: {  	s9 =	sand.u32 $0x200, s25;
	s10 =	smul.u32 $0x27100, s5;
	s18 =	sor.u32 $0x41, s31  }
0xa: {  	s5 =	smul.u32 $0x13C000, s5;
	s22 =	sor.u32 $0x42, s31;
	s8 =	sshrl.u32 s6, $0x1  }
0xb: {  	s11 =	sor.u32 $0x100, s9;
	s14 =	sor.u32 $0x180, s9;
	s20 =	sshrl.u32 s18, $0x3  }
0xc: {  	s24 =	sshll.u32 s22, $0x7;
	s1 =	ssub.s32 s6, s8;
	s26 =	sor.u32 s9, s7  }
0xd: {  	s13 =	sor.u32 s7, s11;
	s15 =	sor.u32 s7, s14;
	s16 =	sshrl.u32 s10, $0x3  }
0xe: {  	s8 =	sor.u32 $0x43, s31;
	s6 =	sshrl.u32 s26, $0x3;
	s19 =	sadd.s32 s4, s16  }
0xf: {  	s13 =	sshrl.u32 s13, $0x3;
	s21 =	sadd.s32 s17, s16;
	[dreg:$0x8] =	wrdreg s19  }
0x10: {  	s15 =	sshrl.u32 s15, $0x3;
	s6 =	sadd.s32 s2, s6;
	[dreg:$0x9] =	wrdreg s21  }
0x11: {  	s13 =	sadd.s32 s2, s13;
	s21 =	sadd.s32 $0x1770, s10;
	[dreg:$0x4] =	wrdreg s6  }
0x12: {  	s6 =	sor.u32 $0x80, s9;
	[dreg:$0x6] =	wrdreg s13;
	s13 =	smul.u32 $0x13C00, s20  }
0x13: {  	s26 =	sshrl.u32 s8, $0x3;
	[dreg:$0xd] =	wrdreg s21;
	s12 =	sor.u32 s7, s6  }
0x14: {  	s7 =	sadd.s32 s5, s7;
	s12 =	sshrl.u32 s12, $0x3;
	s13 =	sadd.s32 s5, s13  }
0x15: {  	s31 =	sor.u32 s9, s7;
	s6 =	sor.u32 s6, s7;
	s11 =	sor.u32 s11, s7  }
0x16: {  	s7 =	sor.u32 s14, s7;
	s12 =	sadd.s32 s2, s12;
	s2 =	sadd.s32 s2, s15  }
0x17: {  	s20 =	sshrl.u32 s6, $0x3;
	s15 =	simm.s32 $0x0;
	[dreg:$0x5] =	wrdreg s12  }
0x18: {  	[dreg:$0x7] =	wrdreg s2;
	s2 =	sadd.s32 $0xFA, s16;
	s12 =	sshll.u32 s18, $0x7  }
0x19: {  	s16 =	sshrl.u32 s22, $0x3;
	s18 =	sadd.s32 $0x9E000, s31;
	s12 =	sand.u32 $0x280, s12  }
0x1a: {  	s16 =	smul.u32 $0x13C00, s16;
	s23 =	sadd.s32 s4, s2;
	s2 =	sadd.s32 s17, s2  }
0x1b: {  	s17 =	sadd.s32 $0xFA0, s10;
	s9 =	sshrl.u32 s18, $0x3;
	s10 =	simm.s32 $0x18B00  }
0x1c: {  	s12 =	sor.u32 s12, s13;
	[dreg:$0xa] =	wrdreg s23;
	s13 =	sand.u32 $0x300, s24  }
0x1d: {  	[dreg:$0xb] =	wrdreg s2;
	s2 =	sshrl.u32 s31, $0x3;
	s19 =	sadd.s32 s0, s9  }
0x1e: {  	s23 =	sshll.u32 s8, $0x7;
	s24 =	sshrl.u32 s11, $0x3;
	s31 =	smax.u32 s1, $0x1  }
0x1f: {  	s8 =	simm.s32 $0x13C00;
	s9 =	simm.s32 $0x16380;
	s11 =	simm.s32 $0x1B280  }
0x20: {  	[dreg:$0xc] =	wrdreg s17;
	s25 =	sadd.s32 s5, s16;
	s16 =	smul.u32 $0x13C00, s26  }
0x21: {  	s2 =	sadd.s32 s0, s2;
	[dreg:$0xf] =	wrdreg s19;
	s22 =	sshrl.u32 s12, $0x3  }
0x22: {  	s6 =	sand.u32 $0x380, s23;
	s26 =	sshrl.u32 s7, $0x3;
	[dreg:$0x16] =	wrdreg s31  }
0x23: {  	s7 =	simm.s32 $0x11480;
	s12 =	simm.s32 $0x2;
	s13 =	sor.u32 s13, s25  }
0x24: {  	[dreg:$0xe] =	wrdreg s2;
	s2 =	sadd.s32 s0, s20;
	s5 =	sadd.s32 s5, s16  }
0x25: {  	[dreg:$0x10] =	wrdreg s2;
	s2 =	sadd.s32 s0, s22;
	s25 =	sshrl.u32 s13, $0x3  }
0x26: {  	s13 =	simm.s32 $0x400;
	[dreg:$0x11] =	wrdreg s2;
	s2 =	sadd.s32 s0, s24  }
.Ltmp0:
0x27: {  	s5 =	sor.u32 s6, s5;
	s6 =	simm.s32 $0xED00;
	(pc) =	sbr.rel .LBB2_1-.Ltmp0, $4  }
0x28: {  	[dreg:$0x12] =	wrdreg s2;
	s2 =	sadd.s32 s0, s25;
	s5 =	sshrl.u32 s5, $0x3  }
0x29: {  	[dreg:$0x13] =	wrdreg s2;
	s2 =	sadd.s32 s0, s26;
	s0 =	sadd.s32 s0, s5  }
0x2a: {  	s26 =	simm.s32 $0x2780;
	s5 =	simm.s32 $0xC580;
	[dreg:$0x14] =	wrdreg s2  }
0x2b: {  	v0 =	vimm.f32 $0.0e+00;
	[dreg:$0x15] =	wrdreg s0;
	s2 =	simm.s32 $0x80;
	s0 =	simm.s32 $0x9E00  }
.LBB2_10:
0x2c: {  	s1 =	rddreg [dreg:$0xe]  }
0x2d: {  	s2 =	simm.s32 $0x80;
	s13 =	simm.s32 $0x400;
	s14 =	simm.s32 $0x3  }
0x2e: {  	[hbm4b:s1+s2] =	stream.strided.scatter [tilespmem:s0], [sflag:$0x3], $0x2780, s13, s2, $0x38;
	[tilespmem:$0x1FA00] =	vst v63  }
0x2f: {  	_ =	swait.ge [sflag:s14], $0x2780  }
0x30: {  	[sflag:s14] =	ssyncset.done $0x0  }
0x31: {  	s19 =	rddreg [dreg:$0xf];
	[sflag:s14] =	ssyncadd.s32 $0xFFFFD880  }
0x32: {  	[hbm4b:s19+s2] =	stream.strided.scatter [tilespmem:s5], [sflag:$0x3], $0x2780, s13, s2, $0x38;
	[tilespmem:$0x1FA00] =	vst v63  }
0x33: {  	_ =	swait.ge [sflag:s14], $0x2780  }
0x34: {  	[sflag:s14] =	ssyncset.done $0x0  }
0x35: {  	s20 =	rddreg [dreg:$0x10];
	[sflag:s14] =	ssyncadd.s32 $0xFFFFD880  }
0x36: {  	[hbm4b:s20+s2] =	stream.strided.scatter [tilespmem:s6], [sflag:$0x3], $0x2780, s13, s2, $0x38;
	[tilespmem:$0x1FA00] =	vst v63  }
0x37: {  	_ =	swait.ge [sflag:s14], $0x2780  }
0x38: {  	[sflag:s14] =	ssyncset.done $0x0  }
0x39: {  	s21 =	rddreg [dreg:$0x11];
	[sflag:s14] =	ssyncadd.s32 $0xFFFFD880  }
0x3a: {  	[hbm4b:s21+s2] =	stream.strided.scatter [tilespmem:s7], [sflag:$0x3], $0x2780, s13, s2, $0x38;
	[tilespmem:$0x1FA00] =	vst v63  }
0x3b: {  	_ =	swait.ge [sflag:s14], $0x2780  }
0x3c: {  	[sflag:s14] =	ssyncset.done $0x0  }
0x3d: {  	s22 =	rddreg [dreg:$0x12];
	[sflag:s14] =	ssyncadd.s32 $0xFFFFD880  }
0x3e: {  	[hbm4b:s22+s2] =	stream.strided.scatter [tilespmem:s8], [sflag:$0x3], $0x2780, s13, s2, $0x38;
	[tilespmem:$0x1FA00] =	vst v63  }
0x3f: {  	_ =	swait.ge [sflag:s14], $0x2780  }
0x40: {  	[sflag:s14] =	ssyncset.done $0x0  }
0x41: {  	s23 =	rddreg [dreg:$0x13];
	[sflag:s14] =	ssyncadd.s32 $0xFFFFD880  }
0x42: {  	[hbm4b:s23+s2] =	stream.strided.scatter [tilespmem:s9], [sflag:$0x3], $0x2780, s13, s2, $0x38;
	[tilespmem:$0x1FA00] =	vst v63  }
0x43: {  	_ =	swait.ge [sflag:s14], $0x2780  }
0x44: {  	[sflag:s14] =	ssyncset.done $0x0  }
0x45: {  	s24 =	rddreg [dreg:$0x14];
	[sflag:s14] =	ssyncadd.s32 $0xFFFFD880  }
0x46: {  	[hbm4b:s24+s2] =	stream.strided.scatter [tilespmem:s10], [sflag:$0x3], $0x2780, s13, s2, $0x38;
	[tilespmem:$0x1FA00] =	vst v63  }
0x47: {  	_ =	swait.ge [sflag:s14], $0x2780  }
0x48: {  	[sflag:s14] =	ssyncset.done $0x0  }
0x49: {  	s25 =	rddreg [dreg:$0x15];
	[sflag:s14] =	ssyncadd.s32 $0xFFFFD880  }
0x4a: {  	[hbm4b:s25+s2] =	stream.strided.scatter [tilespmem:s11], [sflag:$0x3], $0x2780, s13, s2, $0x38;
	[tilespmem:$0x1FA00] =	vst v63  }
0x4b: {  	_ =	swait.ge [sflag:s14], $0x2780  }
0x4c: {  	s15 =	rddreg [dreg:$0x17]  }
0x4d: {  	s31 =	rddreg [dreg:$0x16];
	s15 =	sadd.s32 $0x1, s15  }
0x4e: {  	p0 =	sne.s32 s15, s31  }
.Ltmp1:
0x4f: {  	_ = 	snop;
	(pc) =	sbr.rel @!p0 .LBB2_11-.Ltmp1, $3  }
0x50: {  	_ =	sdelay $0x1  }
0x51: {  	[sflag:s14] =	ssyncset.done $0x0  }
0x52: {  	[sflag:s14] =	ssyncadd.s32 $0xFFFFD880  }
.LBB2_1:
0x53: {  	[dreg:$0x17] =	wrdreg s15  }
0x54: {  	s1 =	rddreg [dreg:$0x4]  }
0x55: {  	[tilespmem:s3], [sflag:$0x1] =	stream.strided.gather [hbm4b:s1+s2], $0x2780, s13, s2, $0x38;
	[tilespmem:$0x1FA00] =	vst v63  }
0x56: {  	s22 =	rddreg [dreg:$0x5]  }
0x57: {  	[tilespmem:s26], [sflag:$0x1] =	stream.strided.gather [hbm4b:s22+s2], $0x2780, s13, s2, $0x38;
	[tilespmem:$0x1FA00] =	vst v63  }
0x58: {  	s23 =	rddreg [dreg:$0x6]  }
0x59: {  	[tilespmem:s28], [sflag:$0x1] =	stream.strided.gather [hbm4b:s23+s2], $0x2780, s13, s2, $0x38;
	[tilespmem:$0x1FA00] =	vst v63  }
0x5a: {  	s24 =	rddreg [dreg:$0x7];
	s25 =	simm.s32 $0x9E40  }
0x5b: {  	[tilespmem:s29], [sflag:$0x1] =	stream.strided.gather [hbm4b:s24+s2], $0x2780, s13, s2, $0x38;
	[tilespmem:$0x1FA00] =	vst v63  }
0x5c: {  	[tilespmem:s25+$0xFFFFFFE0] =	vst v0  }
0x5d: {  	[tilespmem:s25+$0xFFFFFFF0] =	vst v0  }
0x5e: {  	[tilespmem:s25+$0x10] =	vst v0  }
0x5f: {  	[tilespmem:s25+$0xFFFFFFD0] =	vst v0  }
0x60: {  	[tilespmem:s25+$0x0] =	vst v0  }
0x61: {  	[tilespmem:s25+$0x30] =	vst v0  }
0x62: {  	[tilespmem:s25+$0xFFFFFFC0] =	vst v0  }
0x63: {  	s22 =	simm.s32 $0xC5C0;
	[tilespmem:s25+$0x20] =	vst v0  }
0x64: {  	[tilespmem:s22+$0x20] =	vst v0  }
0x65: {  	[tilespmem:s22+$0xFFFFFFC0] =	vst v0  }
0x66: {  	[tilespmem:s22+$0x30] =	vst v0  }
0x67: {  	[tilespmem:s22+$0x0] =	vst v0  }
0x68: {  	[tilespmem:s22+$0xFFFFFFD0] =	vst v0  }
0x69: {  	s23 =	simm.s32 $0xED40;
	[tilespmem:s22+$0x10] =	vst v0  }
0x6a: {  	[tilespmem:s23+$0x20] =	vst v0  }
0x6b: {  	[tilespmem:s23+$0xFFFFFFC0] =	vst v0  }
0x6c: {  	[tilespmem:s23+$0x30] =	vst v0  }
0x6d: {  	[tilespmem:s23+$0x10] =	vst v0  }
0x6e: {  	[tilespmem:s23+$0xFFFFFFD0] =	vst v0  }
0x6f: {  	s21 =	simm.s32 $0x114C0;
	[tilespmem:s23+$0x0] =	vst v0  }
0x70: {  	[tilespmem:s21+$0x20] =	vst v0  }
0x71: {  	[tilespmem:s21+$0x30] =	vst v0  }
0x72: {  	[tilespmem:s21+$0xFFFFFFC0] =	vst v0  }
0x73: {  	s20 =	simm.s32 $0x13C40;
	[tilespmem:s21+$0x10] =	vst v0  }
0x74: {  	[tilespmem:s20+$0x20] =	vst v0  }
0x75: {  	[tilespmem:s20+$0xFFFFFFC0] =	vst v0  }
0x76: {  	s18 =	simm.s32 $0x163C0;
	[tilespmem:s20+$0x30] =	vst v0  }
0x77: {  	[tilespmem:s18+$0x20] =	vst v0  }
0x78: {  	s17 =	simm.s32 $0x18B40;
	[tilespmem:s18+$0xFFFFFFC0] =	vst v0  }
0x79: {  	s19 =	simm.s32 $0x1B2C0;
	[tilespmem:s17+$0x20] =	vst v0  }
0x7a: {  	s16 =	simm.s32 $0x16440;
	s15 =	simm.s32 $0x18BC0;
	s31 =	simm.s32 $0x1B340;
	[tilespmem:s17+$0xFFFFFFC0] =	vst v0  }
0x7b: {  	s14 =	simm.s32 $0x11540;
	s1 =	simm.s32 $0x9EC0;
	s13 =	simm.s32 $0x13CC0;
	[tilespmem:s19+$0x20] =	vst v0  }
0x7c: {  	s2 =	simm.s32 $0xC5C0;
	s24 =	simm.s32 $0xED40;
	s25 =	simm.s32 $0x0;
	[tilespmem:s19+$0xFFFFFFC0] =	vst v0  }
.LBB2_2:
0x7d: {  	s25 =	sadd.s32 $0x8, s25;
	[tilespmem:s21+$0x0] =	vst v0;
	s22 =	sadd.s32 $0x80, s22;
	s23 =	sadd.s32 $0x80, s23  }
0x7e: {  	p0 =	slt.u32 s25, $0x268;
	[tilespmem:s2+$0xFFFFFFE0] =	vst v0  }
0x7f: {  	[tilespmem:s20+$0x10] =	vst v0  }
0x80: {  	[tilespmem:s18+$0x10] =	vst v0  }
0x81: {  	[tilespmem:s21+$0xFFFFFFD0] =	vst v0  }
0x82: {  	[tilespmem:s2+$0xFFFFFFF0] =	vst v0;
	s2 =	smov.u32 s22  }
0x83: {  	[tilespmem:s20+$0x0] =	vst v0  }
0x84: {  	[tilespmem:s18+$0x0] =	vst v0  }
0x85: {  	[tilespmem:s17+$0x0] =	vst v0  }
0x86: {  	[tilespmem:s19+$0x0] =	vst v0  }
0x87: {  	[tilespmem:s24+$0xFFFFFFE0] =	vst v0  }
0x88: {  	[tilespmem:s17+$0x10] =	vst v0  }
0x89: {  	[tilespmem:s18+$0x30] =	vst v0  }
0x8a: {  	[tilespmem:s20+$0xFFFFFFD0] =	vst v0  }
0x8b: {  	[tilespmem:s24+$0xFFFFFFF0] =	vst v0;
	s24 =	smov.u32 s23  }
0x8c: {  	[tilespmem:s18+$0xFFFFFFD0] =	vst v0  }
0x8d: {  	[tilespmem:s21+$0xFFFFFFF0] =	vst v0  }
0x8e: {  	[tilespmem:s20+$0xFFFFFFF0] =	vst v0  }
0x8f: {  	[tilespmem:s19+$0x10] =	vst v0  }
0x90: {  	[tilespmem:s21+$0xFFFFFFE0] =	vst v0;
	s21 =	smov.u32 s14  }
0x91: {  	[tilespmem:s17+$0x30] =	vst v0  }
0x92: {  	[tilespmem:s19+$0x30] =	vst v0  }
0x93: {  	[tilespmem:s17+$0xFFFFFFD0] =	vst v0  }
0x94: {  	[tilespmem:s20+$0xFFFFFFE0] =	vst v0;
	s20 =	smov.u32 s13  }
0x95: {  	[tilespmem:s18+$0xFFFFFFE0] =	vst v0  }
0x96: {  	[tilespmem:s19+$0xFFFFFFD0] =	vst v0  }
0x97: {  	[tilespmem:s18+$0xFFFFFFF0] =	vst v0;
	s18 =	smov.u32 s16  }
0x98: {  	[tilespmem:s17+$0xFFFFFFE0] =	vst v0  }
0x99: {  	[tilespmem:s19+$0xFFFFFFE0] =	vst v0  }
0x9a: {  	[tilespmem:s17+$0xFFFFFFF0] =	vst v0;
	s17 =	smov.u32 s15  }
0x9b: {  	[tilespmem:s19+$0xFFFFFFF0] =	vst v0;
	s19 =	smov.u32 s31  }
0x9c: {  	[tilespmem:s1+$0xFFFFFFE0] =	vst v0  }
0x9d: {  	[tilespmem:s1+$0xFFFFFFF0] =	vst v0  }
0x9e: {  	[tilespmem:s1+$0x10] =	vst v0  }
0x9f: {  	[tilespmem:s1+$0xFFFFFFD0] =	vst v0  }
0xa0: {  	[tilespmem:s1+$0x0] =	vst v0  }
0xa1: {  	[tilespmem:s1+$0x30] =	vst v0  }
0xa2: {  	[tilespmem:s1+$0xFFFFFFC0] =	vst v0  }
0xa3: {  	[tilespmem:s1+$0x20] =	vst v0  }
0xa4: {  	[tilespmem:s22+$0x20] =	vst v0  }
0xa5: {  	[tilespmem:s23+$0x20] =	vst v0  }
0xa6: {  	[tilespmem:s14+$0x20] =	vst v0  }
0xa7: {  	[tilespmem:s13+$0x20] =	vst v0  }
0xa8: {  	[tilespmem:s16+$0x20] =	vst v0  }
0xa9: {  	[tilespmem:s15+$0x20] =	vst v0  }
0xaa: {  	[tilespmem:s31+$0x20] =	vst v0  }
0xab: {  	[tilespmem:s22+$0xFFFFFFC0] =	vst v0  }
0xac: {  	[tilespmem:s23+$0xFFFFFFC0] =	vst v0  }
0xad: {  	[tilespmem:s22+$0x30] =	vst v0  }
0xae: {  	[tilespmem:s23+$0x30] =	vst v0  }
0xaf: {  	[tilespmem:s14+$0x30] =	vst v0  }
0xb0: {  	[tilespmem:s14+$0xFFFFFFC0] =	vst v0  }
0xb1: {  	[tilespmem:s22+$0x0] =	vst v0  }
0xb2: {  	[tilespmem:s22+$0xFFFFFFD0] =	vst v0  }
0xb3: {  	[tilespmem:s13+$0xFFFFFFC0] =	vst v0  }
0xb4: {  	[tilespmem:s22+$0x10] =	vst v0  }
0xb5: {  	[tilespmem:s23+$0x10] =	vst v0  }
0xb6: {  	[tilespmem:s14+$0x10] =	vst v0  }
0xb7: {  	[tilespmem:s23+$0xFFFFFFD0] =	vst v0  }
.Ltmp2:
0xb8: {  	[tilespmem:s13+$0x30] =	vst v0;
	(pc) =	sbr.rel @p0 .LBB2_2-.Ltmp2, $4  }
0xb9: {  	[tilespmem:s23+$0x0] =	vst v0  }
0xba: {  	[tilespmem:s16+$0xFFFFFFC0] =	vst v0  }
0xbb: {  	s15 =	sadd.s32 $0x80, s15;
	s31 =	sadd.s32 $0x80, s31;
	s16 =	sadd.s32 $0x80, s16;
	[tilespmem:s17+$0xFFFFFFC0] =	vst v0  }
0xbc: {  	s1 =	sadd.s32 $0x80, s1;
	s14 =	sadd.s32 $0x80, s14;
	s13 =	sadd.s32 $0x80, s13;
	[tilespmem:s19+$0xFFFFFFC0] =	vst v0  }
0xbd: {  	[tilespmem:s21+$0x0] =	vst v0  }
0xbe: {  	[tilespmem:s2+$0xFFFFFFE0] =	vst v0  }
0xbf: {  	[tilespmem:s20+$0x10] =	vst v0  }
0xc0: {  	[tilespmem:s21+$0xFFFFFFD0] =	vst v0  }
0xc1: {  	[tilespmem:s2+$0xFFFFFFF0] =	vst v0  }
0xc2: {  	[tilespmem:s18+$0x30] =	vst v0  }
0xc3: {  	[tilespmem:s18+$0x10] =	vst v0  }
0xc4: {  	[tilespmem:s20+$0x0] =	vst v0  }
0xc5: {  	[tilespmem:s24+$0xFFFFFFE0] =	vst v0  }
0xc6: {  	[tilespmem:s20+$0xFFFFFFD0] =	vst v0  }
0xc7: {  	[tilespmem:s24+$0xFFFFFFF0] =	vst v0  }
0xc8: {  	[tilespmem:s17+$0x30] =	vst v0  }
0xc9: {  	[tilespmem:s18+$0x0] =	vst v0  }
0xca: {  	[tilespmem:s17+$0x10] =	vst v0  }
0xcb: {  	[tilespmem:s18+$0xFFFFFFD0] =	vst v0  }
0xcc: {  	[tilespmem:s21+$0xFFFFFFF0] =	vst v0  }
0xcd: {  	[tilespmem:s21+$0xFFFFFFE0] =	vst v0  }
0xce: {  	[tilespmem:s19+$0x30] =	vst v0  }
0xcf: {  	[tilespmem:s17+$0x0] =	vst v0  }
0xd0: {  	[tilespmem:s20+$0xFFFFFFF0] =	vst v0  }
0xd1: {  	[tilespmem:s19+$0x10] =	vst v0  }
0xd2: {  	[tilespmem:s17+$0xFFFFFFD0] =	vst v0  }
0xd3: {  	[tilespmem:s20+$0xFFFFFFE0] =	vst v0  }
0xd4: {  	[tilespmem:s19+$0x0] =	vst v0  }
0xd5: {  	[tilespmem:s18+$0xFFFFFFE0] =	vst v0  }
0xd6: {  	[tilespmem:s19+$0xFFFFFFD0] =	vst v0  }
0xd7: {  	[tilespmem:s18+$0xFFFFFFF0] =	vst v0  }
0xd8: {  	[tilespmem:s17+$0xFFFFFFE0] =	vst v0  }
0xd9: {  	[tilespmem:s17+$0xFFFFFFF0] =	vst v0  }
0xda: {  	[tilespmem:s19+$0xFFFFFFE0] =	vst v0  }
0xdb: {  	[tilespmem:s19+$0xFFFFFFF0] =	vst v0  }
0xdc: {  	[tilespmem:$0xC500] =	vst v0  }
0xdd: {  	[tilespmem:$0xEC80] =	vst v0  }
0xde: {  	[tilespmem:$0x11400] =	vst v0  }
0xdf: {  	[tilespmem:$0x13B80] =	vst v0  }
0xe0: {  	[tilespmem:$0x16300] =	vst v0  }
0xe1: {  	[tilespmem:$0x18A80] =	vst v0  }
0xe2: {  	[tilespmem:$0x1B200] =	vst v0  }
0xe3: {  	[tilespmem:$0x1D980] =	vst v0  }
0xe4: {  	_ =	swait.ge [sflag:s30], $0x2780  }
0xe5: {  	[sflag:s30] =	ssyncset.done $0x0  }
0xe6: {  	[sflag:s30] =	ssyncadd.s32 $0xFFFFD880  }
0xe7: {  	_ =	swait.ge [sflag:s30], $0x2780  }
0xe8: {  	[sflag:s30] =	ssyncset.done $0x0  }
0xe9: {  	[sflag:s30] =	ssyncadd.s32 $0xFFFFD880  }
0xea: {  	_ =	swait.ge [sflag:s30], $0x2780  }
0xeb: {  	[sflag:s30] =	ssyncset.done $0x0  }
0xec: {  	[sflag:s30] =	ssyncadd.s32 $0xFFFFD880  }
0xed: {  	_ =	swait.ge [sflag:s30], $0x2780  }
0xee: {  	s1 =	rddreg [dreg:$0x8]  }
0xef: {  	s23 =	rddreg [dreg:$0x9]  }
0xf0: {  	s22 =	simm.s32 $0x1DA00;
	[sflag:s30] =	ssyncset.done $0x0;
	s25 =	rddreg [dreg:$0xa]  }
0xf1: {  	s17 =	simm.s32 $0x0;
	s31 =	rddreg [dreg:$0xb];
	[sflag:s30] =	ssyncadd.s32 $0xFFFFD880  }
0xf2: {  	[tilespmem:s22], [sflag:$0x1] =	stream.linear.gather [hbm4b:s1+s17], $0x7D0, $0x38;
	[tilespmem:$0x1FA00] =	vst v63  }
0xf3: {  	s24 =	simm.s32 $0x1E200;
	s16 =	rddreg [dreg:$0xc]  }
0xf4: {  	[tilespmem:s24], [sflag:$0x1] =	stream.linear.gather [hbm4b:s23+s17], $0x7D0, $0x38;
	[tilespmem:$0x1FA00] =	vst v63  }
0xf5: {  	s21 =	rddreg [dreg:$0xd];
	s22 =	simm.s32 $0x1EA00  }
0xf6: {  	[tilespmem:s22], [sflag:$0x2] =	stream.linear.gather [hbm4b:s25+s17], $0x7D0, $0x38;
	[tilespmem:$0x1FA00] =	vst v63  }
0xf7: {  	s15 =	rddreg [dreg:$0x2];
	s23 =	simm.s32 $0x1F200  }
0xf8: {  	[tilespmem:s23], [sflag:$0x2] =	stream.linear.gather [hbm4b:s31+s17], $0x7D0, $0x38;
	[tilespmem:$0x1FA00] =	vst v63  }
.LBB2_4:
0xf9: {  	_ =	swait.ge [sflag:s30], $0x7D0  }
0xfa: {  	[sflag:s30] =	ssyncset.done $0x0  }
0xfb: {  	[sflag:s30] =	ssyncadd.s32 $0xFFFFF830  }
0xfc: {  	_ =	swait.ge [sflag:s30], $0x7D0  }
0xfd: {  	[sflag:s30] =	ssyncset.done $0x0  }
0xfe: {  	s1 =	simm.s32 $0x1DA20;
	[sflag:s30] =	ssyncadd.s32 $0xFFFFF830  }
0xff: {  	v2 =	vld [tilespmem:s1+$0x10];
	_ =	sdelay $0x3  }
0x100: {  	v4 =	vld [tilespmem:s1+$0xFFFFFFE0]  }
0x101: {  	v10 =	vshrl.u32 v2, $0x10  }
0x102: {  	v7 =	vld [tilespmem:s1+$0xFFFFFFF0]  }
0x103: {  	v8 =	vld [tilespmem:s1+$0x0];
	_ =	sdelay $0x1  }
0x104: {  	v5 =	vshrl.u32 v4, $0x10  }
0x105: {  	s18 =	simm.s32 $0x1E220;
	v11 =	vld.idx.msk [tilespmem:v10+s3+$0x0], $0xffff  }
0x106: {  	v12 =	vld [tilespmem:s18+$0x10];
	v1 =	vshrl.u32 v7, $0x10  }
0x107: {  	v3 =	vshrl.u32 v8, $0x10  }
0x108: {  	v9 =	vld [tilespmem:s18+$0xFFFFFFE0];
	v15 =	vand.u32 $0xFFFF, v2  }
0x109: {  	v14 =	vld.idx.msk [tilespmem:v5+s3+$0x0], $0xffff  }
0x10a: {  	v6 =	vld [tilespmem:s18+$0xFFFFFFF0];
	v2 =	vshll.u32 v11, $0x10  }
0x10b: {  	v13 =	vld.idx.msk [tilespmem:v1+s3+$0x0], $0xffff;
	v2 =	vmul.f32 v2, v12  }
0x10c: {  	v4 =	vand.u32 $0xFFFF, v4;
	v16 =	vld.idx.msk [tilespmem:v3+s3+$0x0], $0xffff;
	v11 =	vmul.f32 v11, v12  }
0x10d: {  	[tilespmem:v15+s0+$0x0] =	vst.idx.add.f32.msk $0xffff, v2  }
0x10e: {  	v2 =	vand.u32 $0xFFFF, v7;
	v7 =	vshll.u32 v14, $0x10;
	[tilespmem:v15+s5+$0x0] =	vst.idx.add.f32.msk $0xffff, v11  }
0x10f: {  	v11 =	vmul.f32 v7, v9;
	v17 =	vld.idx.msk [tilespmem:v10+s26+$0x0], $0xffff  }
0x110: {  	v18 =	vshll.u32 v13, $0x10;
	v14 =	vmul.f32 v14, v9;
	v7 =	vld [tilespmem:s18+$0x0]  }
0x111: {  	v18 =	vmul.f32 v18, v6;
	[tilespmem:v4+s0+$0x0] =	vst.idx.add.f32.msk $0xffff, v11  }
0x112: {  	v11 =	vmul.f32 v13, v6;
	[tilespmem:v4+s5+$0x0] =	vst.idx.add.f32.msk $0xffff, v14  }
0x113: {  	[tilespmem:v2+s0+$0x0] =	vst.idx.add.f32.msk $0xffff, v18  }
0x114: {  	[tilespmem:v2+s5+$0x0] =	vst.idx.add.f32.msk $0xffff, v11;
	v11 =	vshll.u32 v17, $0x10  }
0x115: {  	v8 =	vand.u32 $0xFFFF, v8;
	v13 =	vld.idx.msk [tilespmem:v5+s26+$0x0], $0xffff;
	v11 =	vmul.f32 v11, v12  }
0x116: {  	v14 =	vld.idx.msk [tilespmem:v1+s26+$0x0], $0xffff;
	v17 =	vmul.f32 v17, v12  }
0x117: {  	v18 =	vshll.u32 v16, $0x10;
	[tilespmem:v15+s6+$0x0] =	vst.idx.add.f32.msk $0xffff, v11  }
0x118: {  	v11 =	vmul.f32 v18, v7;
	[tilespmem:v15+s7+$0x0] =	vst.idx.add.f32.msk $0xffff, v17  }
0x119: {  	v16 =	vmul.f32 v16, v7;
	v17 =	vld.idx.msk [tilespmem:v10+s28+$0x0], $0xffff  }
0x11a: {  	[tilespmem:v8+s0+$0x0] =	vst.idx.add.f32.msk $0xffff, v11;
	v11 =	vshll.u32 v13, $0x10  }
0x11b: {  	[tilespmem:v8+s5+$0x0] =	vst.idx.add.f32.msk $0xffff, v16;
	v11 =	vmul.f32 v11, v9  }
0x11c: {  	v13 =	vmul.f32 v13, v9;
	v18 =	vshll.u32 v14, $0x10;
	v16 =	vld.idx.msk [tilespmem:v3+s26+$0x0], $0xffff  }
0x11d: {  	v18 =	vmul.f32 v18, v6;
	[tilespmem:v4+s6+$0x0] =	vst.idx.add.f32.msk $0xffff, v11  }
0x11e: {  	v11 =	vmul.f32 v14, v6;
	[tilespmem:v4+s7+$0x0] =	vst.idx.add.f32.msk $0xffff, v13;
	v13 =	vshll.u32 v17, $0x10  }
0x11f: {  	[tilespmem:v2+s6+$0x0] =	vst.idx.add.f32.msk $0xffff, v18;
	v13 =	vmul.f32 v13, v12  }
0x120: {  	[tilespmem:v2+s7+$0x0] =	vst.idx.add.f32.msk $0xffff, v11;
	v11 =	vmul.f32 v17, v12  }
0x121: {  	v14 =	vshll.u32 v16, $0x10;
	[tilespmem:v15+s8+$0x0] =	vst.idx.add.f32.msk $0xffff, v13  }
0x122: {  	v13 =	vmul.f32 v14, v7;
	[tilespmem:v15+s9+$0x0] =	vst.idx.add.f32.msk $0xffff, v11  }
0x123: {  	v11 =	vmul.f32 v16, v7;
	v10 =	vld.idx.msk [tilespmem:v10+s29+$0x0], $0xffff  }
0x124: {  	[tilespmem:v8+s6+$0x0] =	vst.idx.add.f32.msk $0xffff, v13  }
0x125: {  	[tilespmem:v8+s7+$0x0] =	vst.idx.add.f32.msk $0xffff, v11  }
0x126: {  	v11 =	vld.idx.msk [tilespmem:v5+s28+$0x0], $0xffff  }
0x127: {  	v13 =	vld.idx.msk [tilespmem:v1+s28+$0x0], $0xffff  }
0x128: {  	v16 =	vld.idx.msk [tilespmem:v3+s28+$0x0], $0xffff  }
0x129: {  	v14 =	vshll.u32 v10, $0x10  }
0x12a: {  	v14 =	vmul.f32 v14, v12  }
0x12b: {  	v10 =	vmul.f32 v10, v12;
	v12 =	vshll.u32 v11, $0x10  }
0x12c: {  	v17 =	vshll.u32 v13, $0x10;
	v11 =	vmul.f32 v11, v9;
	v12 =	vmul.f32 v12, v9;
	[tilespmem:v15+s10+$0x0] =	vst.idx.add.f32.msk $0xffff, v14  }
0x12d: {  	v14 =	vmul.f32 v13, v6;
	v13 =	vmul.f32 v16, v7;
	[tilespmem:v15+s11+$0x0] =	vst.idx.add.f32.msk $0xffff, v10;
	v10 =	vshll.u32 v16, $0x10  }
0x12e: {  	s19 =	simm.s32 $0x0;
	s20 =	simm.s32 $0x1DA60;
	v15 =	vmul.f32 v17, v6;
	[tilespmem:v4+s8+$0x0] =	vst.idx.add.f32.msk $0xffff, v12;
	v16 =	vmul.f32 v10, v7  }
.LBB2_5:
0x12f: {  	v17 =	vld [tilespmem:s20+$0x10]  }
0x130: {  	v10 =	vld [tilespmem:s20+$0xFFFFFFF0]  }
0x131: {  	v18 =	vld [tilespmem:s20+$0x0]  }
0x132: {  	v19 =	vld [tilespmem:s20+$0xFFFFFFE0]  }
0x133: {  	s19 =	sadd.s32 $0x4, s19;
	[tilespmem:v4+s9+$0x0] =	vst.idx.add.f32.msk $0xffff, v11  }
0x134: {  	p0 =	slt.u32 s19, $0x78;
	v12 =	vshrl.u32 v17, $0x10;
	[tilespmem:v2+s8+$0x0] =	vst.idx.add.f32.msk $0xffff, v15  }
0x135: {  	v15 =	vshrl.u32 v10, $0x10;
	v11 =	vand.u32 $0xFFFF, v10;
	[tilespmem:v2+s9+$0x0] =	vst.idx.add.f32.msk $0xffff, v14  }
0x136: {  	v14 =	vshrl.u32 v18, $0x10;
	v10 =	vand.u32 $0xFFFF, v18;
	[tilespmem:v8+s8+$0x0] =	vst.idx.add.f32.msk $0xffff, v16  }
0x137: {  	v16 =	vshrl.u32 v19, $0x10;
	v18 =	vand.u32 $0xFFFF, v19;
	[tilespmem:v8+s9+$0x0] =	vst.idx.add.f32.msk $0xffff, v13  }
0x138: {  	v19 =	vld.idx.msk [tilespmem:v5+s29+$0x0], $0xffff;
	v5 =	vmov v16  }
0x139: {  	v20 =	vld.idx.msk [tilespmem:v12+s3+$0x0], $0xffff  }
0x13a: {  	s18 =	sadd.s32 $0x40, s18;
	v21 =	vld.idx.msk [tilespmem:v15+s3+$0x0], $0xffff  }
0x13b: {  	v22 =	vld [tilespmem:s18+$0x10]  }
0x13c: {  	v16 =	vld.idx.msk [tilespmem:v16+s3+$0x0], $0xffff  }
0x13d: {  	v13 =	vand.u32 $0xFFFF, v17;
	v23 =	vld.idx.msk [tilespmem:v14+s3+$0x0], $0xffff  }
0x13e: {  	v24 =	vshll.u32 v19, $0x10;
	v19 =	vmul.f32 v19, v9;
	v17 =	vld [tilespmem:s18+$0xFFFFFFE0]  }
0x13f: {  	v26 =	vshll.u32 v20, $0x10;
	v24 =	vmul.f32 v24, v9;
	v25 =	vld [tilespmem:s18+$0xFFFFFFF0]  }
0x140: {  	v9 =	vshll.u32 v21, $0x10;
	v27 =	vld [tilespmem:s18+$0x0];
	v26 =	vmul.f32 v26, v22  }
0x141: {  	v20 =	vmul.f32 v20, v22;
	v28 =	vld.idx.msk [tilespmem:v1+s29+$0x0], $0xffff;
	v1 =	vmov v15  }
0x142: {  	v15 =	vshll.u32 v16, $0x10;
	[tilespmem:v13+s0+$0x0] =	vst.idx.add.f32.msk $0xffff, v26  }
0x143: {  	v26 =	vshll.u32 v23, $0x10;
	v15 =	vmul.f32 v15, v17;
	v16 =	vmul.f32 v16, v17;
	[tilespmem:v13+s5+$0x0] =	vst.idx.add.f32.msk $0xffff, v20  }
0x144: {  	v20 =	vmul.f32 v9, v25;
	v21 =	vmul.f32 v21, v25;
	v29 =	vld.idx.msk [tilespmem:v12+s26+$0x0], $0xffff;
	v9 =	vmov v17  }
0x145: {  	[tilespmem:v18+s0+$0x0] =	vst.idx.add.f32.msk $0xffff, v15;
	v15 =	vmul.f32 v26, v27;
	v17 =	vmul.f32 v23, v27  }
0x146: {  	[tilespmem:v18+s5+$0x0] =	vst.idx.add.f32.msk $0xffff, v16  }
0x147: {  	v16 =	vshll.u32 v28, $0x10;
	[tilespmem:v11+s0+$0x0] =	vst.idx.add.f32.msk $0xffff, v20;
	v20 =	vmul.f32 v28, v6  }
0x148: {  	v16 =	vmul.f32 v16, v6;
	v6 =	vmov v25;
	[tilespmem:v11+s5+$0x0] =	vst.idx.add.f32.msk $0xffff, v21  }
0x149: {  	[tilespmem:v10+s0+$0x0] =	vst.idx.add.f32.msk $0xffff, v15  }
0x14a: {  	v15 =	vshll.u32 v29, $0x10;
	[tilespmem:v10+s5+$0x0] =	vst.idx.add.f32.msk $0xffff, v17  }
0x14b: {  	v15 =	vmul.f32 v15, v22;
	v17 =	vld.idx.msk [tilespmem:v5+s26+$0x0], $0xffff  }
0x14c: {  	v23 =	vmul.f32 v29, v22;
	v21 =	vld.idx.msk [tilespmem:v1+s26+$0x0], $0xffff  }
0x14d: {  	[tilespmem:v13+s6+$0x0] =	vst.idx.add.f32.msk $0xffff, v15  }
0x14e: {  	[tilespmem:v13+s7+$0x0] =	vst.idx.add.f32.msk $0xffff, v23  }
0x14f: {  	v15 =	vld.idx.msk [tilespmem:v12+s28+$0x0], $0xffff  }
0x150: {  	v23 =	vld.idx.msk [tilespmem:v14+s26+$0x0], $0xffff  }
0x151: {  	v25 =	vshll.u32 v17, $0x10;
	v17 =	vmul.f32 v17, v9;
	v26 =	vld.idx.msk [tilespmem:v3+s29+$0x0], $0xffff;
	v3 =	vmov v14  }
0x152: {  	v14 =	vmul.f32 v25, v9;
	v25 =	vshll.u32 v21, $0x10;
	v21 =	vmul.f32 v21, v6;
	[tilespmem:v4+s10+$0x0] =	vst.idx.add.f32.msk $0xffff, v24  }
0x153: {  	v24 =	vmul.f32 v25, v6;
	[tilespmem:v4+s11+$0x0] =	vst.idx.add.f32.msk $0xffff, v19;
	v4 =	vmov v18  }
0x154: {  	[tilespmem:v18+s6+$0x0] =	vst.idx.add.f32.msk $0xffff, v14  }
0x155: {  	v14 =	vshll.u32 v15, $0x10;
	[tilespmem:v18+s7+$0x0] =	vst.idx.add.f32.msk $0xffff, v17  }
0x156: {  	v17 =	vshll.u32 v23, $0x10;
	v18 =	vmul.f32 v23, v27;
	v14 =	vmul.f32 v14, v22;
	[tilespmem:v11+s6+$0x0] =	vst.idx.add.f32.msk $0xffff, v24  }
0x157: {  	v15 =	vmul.f32 v15, v22;
	v17 =	vmul.f32 v17, v27;
	v19 =	vshll.u32 v26, $0x10;
	[tilespmem:v11+s7+$0x0] =	vst.idx.add.f32.msk $0xffff, v21  }
0x158: {  	[tilespmem:v13+s8+$0x0] =	vst.idx.add.f32.msk $0xffff, v14;
	v14 =	vmul.f32 v19, v7;
	v19 =	vmul.f32 v26, v7;
	v7 =	vmov v27  }
0x159: {  	[tilespmem:v13+s9+$0x0] =	vst.idx.add.f32.msk $0xffff, v15  }
0x15a: {  	v12 =	vld.idx.msk [tilespmem:v12+s29+$0x0], $0xffff  }
0x15b: {  	[tilespmem:v10+s6+$0x0] =	vst.idx.add.f32.msk $0xffff, v17  }
0x15c: {  	[tilespmem:v10+s7+$0x0] =	vst.idx.add.f32.msk $0xffff, v18  }
0x15d: {  	v15 =	vld.idx.msk [tilespmem:v5+s28+$0x0], $0xffff  }
0x15e: {  	v17 =	vld.idx.msk [tilespmem:v1+s28+$0x0], $0xffff  }
0x15f: {  	v18 =	vld.idx.msk [tilespmem:v3+s28+$0x0], $0xffff  }
0x160: {  	v21 =	vshll.u32 v12, $0x10;
	[tilespmem:v2+s10+$0x0] =	vst.idx.add.f32.msk $0xffff, v16  }
0x161: {  	v16 =	vmul.f32 v21, v22;
	[tilespmem:v2+s11+$0x0] =	vst.idx.add.f32.msk $0xffff, v20;
	v2 =	vmov v11  }
.Ltmp3:
0x162: {  	v12 =	vmul.f32 v12, v22;
	[tilespmem:v8+s10+$0x0] =	vst.idx.add.f32.msk $0xffff, v14;
	(pc) =	sbr.rel @p0 .LBB2_5-.Ltmp3, $4  }
0x163: {  	v14 =	vshll.u32 v15, $0x10;
	v11 =	vmul.f32 v15, v9;
	[tilespmem:v13+s10+$0x0] =	vst.idx.add.f32.msk $0xffff, v16  }
0x164: {  	v16 =	vmul.f32 v14, v9;
	v15 =	vshll.u32 v17, $0x10;
	v14 =	vmul.f32 v17, v6;
	[tilespmem:v13+s11+$0x0] =	vst.idx.add.f32.msk $0xffff, v12  }
0x165: {  	v15 =	vmul.f32 v15, v6;
	v12 =	vshll.u32 v18, $0x10;
	v13 =	vmul.f32 v18, v7;
	[tilespmem:v8+s11+$0x0] =	vst.idx.add.f32.msk $0xffff, v19  }
0x166: {  	s20 =	sadd.s32 $0x40, s20;
	v8 =	vmov v10;
	[tilespmem:v4+s8+$0x0] =	vst.idx.add.f32.msk $0xffff, v16;
	v16 =	vmul.f32 v12, v7  }
0x167: {  	_ =	sdelay $0x3  }
0x168: {  	[tilespmem:v4+s9+$0x0] =	vst.idx.add.f32.msk $0xffff, v11  }
0x169: {  	[tilespmem:v2+s8+$0x0] =	vst.idx.add.f32.msk $0xffff, v15  }
0x16a: {  	[tilespmem:v2+s9+$0x0] =	vst.idx.add.f32.msk $0xffff, v14  }
0x16b: {  	v5 =	vld.idx.msk [tilespmem:v5+s29+$0x0], $0xffff  }
0x16c: {  	[tilespmem:v8+s8+$0x0] =	vst.idx.add.f32.msk $0xffff, v16  }
0x16d: {  	v1 =	vld.idx.msk [tilespmem:v1+s29+$0x0], $0xffff  }
0x16e: {  	[tilespmem:v8+s9+$0x0] =	vst.idx.add.f32.msk $0xffff, v13  }
0x16f: {  	v3 =	vld.idx.msk [tilespmem:v3+s29+$0x0], $0xffff  }
0x170: {  	v10 =	vshll.u32 v5, $0x10  }
0x171: {  	v10 =	vmul.f32 v10, v9  }
0x172: {  	v5 =	vmul.f32 v5, v9;
	v9 =	vshll.u32 v1, $0x10  }
0x173: {  	v9 =	vmul.f32 v9, v6;
	[tilespmem:v4+s10+$0x0] =	vst.idx.add.f32.msk $0xffff, v10  }
0x174: {  	v1 =	vmul.f32 v1, v6;
	[tilespmem:v4+s11+$0x0] =	vst.idx.add.f32.msk $0xffff, v5;
	v4 =	vshll.u32 v3, $0x10  }
0x175: {  	[tilespmem:v2+s10+$0x0] =	vst.idx.add.f32.msk $0xffff, v9;
	v4 =	vmul.f32 v4, v7  }
0x176: {  	v3 =	vmul.f32 v3, v7;
	[tilespmem:v2+s11+$0x0] =	vst.idx.add.f32.msk $0xffff, v1  }
0x177: {  	[tilespmem:v8+s10+$0x0] =	vst.idx.add.f32.msk $0xffff, v4  }
0x178: {  	[tilespmem:v8+s11+$0x0] =	vst.idx.add.f32.msk $0xffff, v3  }
0x179: {  	v1 =	vld [tilespmem:$0x1E1C0];
	_ =	sdelay $0x4  }
0x17a: {  	v2 =	vshrl.u32 v1, $0x10;
	_ =	sdelay $0x4  }
0x17b: {  	v3 =	vld.idx.msk [tilespmem:v2+s3+$0x0], $0xffff  }
0x17c: {  	v4 =	vld [tilespmem:$0x1E9C0];
	_ =	sdelay $0x1  }
0x17d: {  	v1 =	vand.u32 $0xFFFF, v1;
	_ =	sdelay $0x1  }
0x17e: {  	v5 =	vshll.u32 v3, $0x10  }
0x17f: {  	v5 =	vmul.f32 v5, v4  }
0x180: {  	v3 =	vmul.f32 v3, v4  }
0x181: {  	[tilespmem:v1+s0+$0x0] =	vst.idx.add.f32.msk $0xffff, v5  }
0x182: {  	[tilespmem:v1+s5+$0x0] =	vst.idx.add.f32.msk $0xffff, v3  }
0x183: {  	v3 =	vld.idx.msk [tilespmem:v2+s26+$0x0], $0xffff;
	_ =	sdelay $0x4  }
0x184: {  	v5 =	vshll.u32 v3, $0x10  }
0x185: {  	v5 =	vmul.f32 v5, v4  }
0x186: {  	v3 =	vmul.f32 v3, v4  }
0x187: {  	[tilespmem:v1+s6+$0x0] =	vst.idx.add.f32.msk $0xffff, v5  }
0x188: {  	[tilespmem:v1+s7+$0x0] =	vst.idx.add.f32.msk $0xffff, v3  }
0x189: {  	v3 =	vld.idx.msk [tilespmem:v2+s28+$0x0], $0xffff;
	_ =	sdelay $0x4  }
0x18a: {  	v5 =	vshll.u32 v3, $0x10  }
0x18b: {  	v5 =	vmul.f32 v5, v4  }
0x18c: {  	v3 =	vmul.f32 v3, v4  }
0x18d: {  	[tilespmem:v1+s8+$0x0] =	vst.idx.add.f32.msk $0xffff, v5  }
0x18e: {  	[tilespmem:v1+s9+$0x0] =	vst.idx.add.f32.msk $0xffff, v3  }
0x18f: {  	v2 =	vld.idx.msk [tilespmem:v2+s29+$0x0], $0xffff;
	_ =	sdelay $0x3  }
0x190: {  	p0 =	seq.s32 s17, $0x27  }
0x191: {  	s1 =	smul.u32 @!p0 $0xFA0, s17;
	v3 =	vshll.u32 v2, $0x10  }
0x192: {  	v3 =	vmul.f32 v3, v4  }
0x193: {  	s1 =	sadd.s32 @!p0 s1, s16;
	v2 =	vmul.f32 v2, v4  }
0x194: {  	s1 =	sshrl.u32 @!p0 s1, $0x3;
	[tilespmem:v1+s10+$0x0] =	vst.idx.add.f32.msk $0xffff, v3  }
0x195: {  	s13 =	simm.s32 @!p0 $0x0;
	s14 =	simm.s32 @!p0 $0x1DA00;
	s2 =	sadd.s32 @!p0 s4, s1;
	[tilespmem:v1+s11+$0x0] =	vst.idx.add.f32.msk $0xffff, v2  }
0x196: {  	[tilespmem:s14], [sflag:$0x1] =	stream.linear.gather @!p0 [hbm4b:s2+s13], $0x7D0, $0x38;
	[tilespmem:$0x1FA00] =	vst v63  }
0x197: {  	s1 =	sadd.s32 @!p0 s15, s1;
	s2 =	simm.s32 @!p0 $0x1E200  }
0x198: {  	[tilespmem:s2], [sflag:$0x1] =	stream.linear.gather @!p0 [hbm4b:s1+s13], $0x7D0, $0x38;
	[tilespmem:$0x1FA00] =	vst v63  }
0x199: {  	_ =	swait.ge [sflag:s12], $0x7D0  }
0x19a: {  	[sflag:s12] =	ssyncset.done $0x0  }
0x19b: {  	[sflag:s12] =	ssyncadd.s32 $0xFFFFF830  }
0x19c: {  	_ =	swait.ge [sflag:s12], $0x7D0  }
0x19d: {  	[sflag:s12] =	ssyncset.done $0x0  }
0x19e: {  	s31 =	simm.s32 $0x1EA20;
	[sflag:s12] =	ssyncadd.s32 $0xFFFFF830  }
0x19f: {  	v2 =	vld [tilespmem:s31+$0x10];
	_ =	sdelay $0x3  }
0x1a0: {  	v4 =	vld [tilespmem:s31+$0xFFFFFFE0]  }
0x1a1: {  	v10 =	vshrl.u32 v2, $0x10  }
0x1a2: {  	v7 =	vld [tilespmem:s31+$0xFFFFFFF0]  }
0x1a3: {  	v8 =	vld [tilespmem:s31+$0x0];
	_ =	sdelay $0x1  }
0x1a4: {  	v5 =	vshrl.u32 v4, $0x10  }
0x1a5: {  	s18 =	simm.s32 $0x1F220;
	v11 =	vld.idx.msk [tilespmem:v10+s3+$0x0], $0xffff  }
0x1a6: {  	v12 =	vld [tilespmem:s18+$0x10];
	v1 =	vshrl.u32 v7, $0x10  }
0x1a7: {  	v3 =	vshrl.u32 v8, $0x10  }
0x1a8: {  	v9 =	vld [tilespmem:s18+$0xFFFFFFE0];
	v15 =	vand.u32 $0xFFFF, v2  }
0x1a9: {  	v14 =	vld.idx.msk [tilespmem:v5+s3+$0x0], $0xffff  }
0x1aa: {  	v6 =	vld [tilespmem:s18+$0xFFFFFFF0];
	v2 =	vshll.u32 v11, $0x10  }
0x1ab: {  	v13 =	vld.idx.msk [tilespmem:v1+s3+$0x0], $0xffff;
	v2 =	vmul.f32 v2, v12  }
0x1ac: {  	v4 =	vand.u32 $0xFFFF, v4;
	v16 =	vld.idx.msk [tilespmem:v3+s3+$0x0], $0xffff;
	v11 =	vmul.f32 v11, v12  }
0x1ad: {  	[tilespmem:v15+s0+$0x0] =	vst.idx.add.f32.msk $0xffff, v2  }
0x1ae: {  	v2 =	vand.u32 $0xFFFF, v7;
	v7 =	vshll.u32 v14, $0x10;
	[tilespmem:v15+s5+$0x0] =	vst.idx.add.f32.msk $0xffff, v11  }
0x1af: {  	v11 =	vmul.f32 v7, v9;
	v17 =	vld.idx.msk [tilespmem:v10+s26+$0x0], $0xffff  }
0x1b0: {  	v18 =	vshll.u32 v13, $0x10;
	v14 =	vmul.f32 v14, v9;
	v7 =	vld [tilespmem:s18+$0x0]  }
0x1b1: {  	v18 =	vmul.f32 v18, v6;
	[tilespmem:v4+s0+$0x0] =	vst.idx.add.f32.msk $0xffff, v11  }
0x1b2: {  	v11 =	vmul.f32 v13, v6;
	[tilespmem:v4+s5+$0x0] =	vst.idx.add.f32.msk $0xffff, v14  }
0x1b3: {  	[tilespmem:v2+s0+$0x0] =	vst.idx.add.f32.msk $0xffff, v18  }
0x1b4: {  	[tilespmem:v2+s5+$0x0] =	vst.idx.add.f32.msk $0xffff, v11;
	v11 =	vshll.u32 v17, $0x10  }
0x1b5: {  	v8 =	vand.u32 $0xFFFF, v8;
	v13 =	vld.idx.msk [tilespmem:v5+s26+$0x0], $0xffff;
	v11 =	vmul.f32 v11, v12  }
0x1b6: {  	v14 =	vld.idx.msk [tilespmem:v1+s26+$0x0], $0xffff;
	v17 =	vmul.f32 v17, v12  }
0x1b7: {  	v18 =	vshll.u32 v16, $0x10;
	[tilespmem:v15+s6+$0x0] =	vst.idx.add.f32.msk $0xffff, v11  }
0x1b8: {  	v11 =	vmul.f32 v18, v7;
	[tilespmem:v15+s7+$0x0] =	vst.idx.add.f32.msk $0xffff, v17  }
0x1b9: {  	v16 =	vmul.f32 v16, v7;
	v17 =	vld.idx.msk [tilespmem:v10+s28+$0x0], $0xffff  }
0x1ba: {  	[tilespmem:v8+s0+$0x0] =	vst.idx.add.f32.msk $0xffff, v11;
	v11 =	vshll.u32 v13, $0x10  }
0x1bb: {  	[tilespmem:v8+s5+$0x0] =	vst.idx.add.f32.msk $0xffff, v16;
	v11 =	vmul.f32 v11, v9  }
0x1bc: {  	v13 =	vmul.f32 v13, v9;
	v18 =	vshll.u32 v14, $0x10;
	v16 =	vld.idx.msk [tilespmem:v3+s26+$0x0], $0xffff  }
0x1bd: {  	v18 =	vmul.f32 v18, v6;
	[tilespmem:v4+s6+$0x0] =	vst.idx.add.f32.msk $0xffff, v11  }
0x1be: {  	v11 =	vmul.f32 v14, v6;
	[tilespmem:v4+s7+$0x0] =	vst.idx.add.f32.msk $0xffff, v13;
	v13 =	vshll.u32 v17, $0x10  }
0x1bf: {  	[tilespmem:v2+s6+$0x0] =	vst.idx.add.f32.msk $0xffff, v18;
	v13 =	vmul.f32 v13, v12  }
0x1c0: {  	[tilespmem:v2+s7+$0x0] =	vst.idx.add.f32.msk $0xffff, v11;
	v11 =	vmul.f32 v17, v12  }
0x1c1: {  	v14 =	vshll.u32 v16, $0x10;
	[tilespmem:v15+s8+$0x0] =	vst.idx.add.f32.msk $0xffff, v13  }
0x1c2: {  	v13 =	vmul.f32 v14, v7;
	[tilespmem:v15+s9+$0x0] =	vst.idx.add.f32.msk $0xffff, v11  }
0x1c3: {  	v11 =	vmul.f32 v16, v7;
	v10 =	vld.idx.msk [tilespmem:v10+s29+$0x0], $0xffff  }
0x1c4: {  	[tilespmem:v8+s6+$0x0] =	vst.idx.add.f32.msk $0xffff, v13  }
0x1c5: {  	[tilespmem:v8+s7+$0x0] =	vst.idx.add.f32.msk $0xffff, v11  }
0x1c6: {  	v11 =	vld.idx.msk [tilespmem:v5+s28+$0x0], $0xffff  }
0x1c7: {  	v13 =	vld.idx.msk [tilespmem:v1+s28+$0x0], $0xffff  }
0x1c8: {  	v16 =	vld.idx.msk [tilespmem:v3+s28+$0x0], $0xffff  }
0x1c9: {  	v14 =	vshll.u32 v10, $0x10  }
0x1ca: {  	v14 =	vmul.f32 v14, v12  }
0x1cb: {  	v10 =	vmul.f32 v10, v12;
	v12 =	vshll.u32 v11, $0x10  }
0x1cc: {  	v17 =	vshll.u32 v13, $0x10;
	v11 =	vmul.f32 v11, v9;
	v12 =	vmul.f32 v12, v9;
	[tilespmem:v15+s10+$0x0] =	vst.idx.add.f32.msk $0xffff, v14  }
0x1cd: {  	v14 =	vmul.f32 v13, v6;
	v13 =	vmul.f32 v16, v7;
	[tilespmem:v15+s11+$0x0] =	vst.idx.add.f32.msk $0xffff, v10;
	v10 =	vshll.u32 v16, $0x10  }
0x1ce: {  	s19 =	simm.s32 $0x0;
	s20 =	simm.s32 $0x1EA60;
	v15 =	vmul.f32 v17, v6;
	[tilespmem:v4+s8+$0x0] =	vst.idx.add.f32.msk $0xffff, v12;
	v16 =	vmul.f32 v10, v7  }
.LBB2_7:
0x1cf: {  	v17 =	vld [tilespmem:s20+$0x10]  }
0x1d0: {  	v10 =	vld [tilespmem:s20+$0xFFFFFFF0]  }
0x1d1: {  	v18 =	vld [tilespmem:s20+$0x0]  }
0x1d2: {  	v19 =	vld [tilespmem:s20+$0xFFFFFFE0]  }
0x1d3: {  	s19 =	sadd.s32 $0x4, s19;
	[tilespmem:v4+s9+$0x0] =	vst.idx.add.f32.msk $0xffff, v11  }
0x1d4: {  	p1 =	slt.u32 s19, $0x78;
	v12 =	vshrl.u32 v17, $0x10;
	[tilespmem:v2+s8+$0x0] =	vst.idx.add.f32.msk $0xffff, v15  }
0x1d5: {  	v15 =	vshrl.u32 v10, $0x10;
	v11 =	vand.u32 $0xFFFF, v10;
	[tilespmem:v2+s9+$0x0] =	vst.idx.add.f32.msk $0xffff, v14  }
0x1d6: {  	v14 =	vshrl.u32 v18, $0x10;
	v10 =	vand.u32 $0xFFFF, v18;
	[tilespmem:v8+s8+$0x0] =	vst.idx.add.f32.msk $0xffff, v16  }
0x1d7: {  	v16 =	vshrl.u32 v19, $0x10;
	v18 =	vand.u32 $0xFFFF, v19;
	[tilespmem:v8+s9+$0x0] =	vst.idx.add.f32.msk $0xffff, v13  }
0x1d8: {  	v19 =	vld.idx.msk [tilespmem:v5+s29+$0x0], $0xffff;
	v5 =	vmov v16  }
0x1d9: {  	v20 =	vld.idx.msk [tilespmem:v12+s3+$0x0], $0xffff  }
0x1da: {  	s18 =	sadd.s32 $0x40, s18;
	v21 =	vld.idx.msk [tilespmem:v15+s3+$0x0], $0xffff  }
0x1db: {  	v22 =	vld [tilespmem:s18+$0x10]  }
0x1dc: {  	v16 =	vld.idx.msk [tilespmem:v16+s3+$0x0], $0xffff  }
0x1dd: {  	v13 =	vand.u32 $0xFFFF, v17;
	v23 =	vld.idx.msk [tilespmem:v14+s3+$0x0], $0xffff  }
0x1de: {  	v24 =	vshll.u32 v19, $0x10;
	v19 =	vmul.f32 v19, v9;
	v17 =	vld [tilespmem:s18+$0xFFFFFFE0]  }
0x1df: {  	v26 =	vshll.u32 v20, $0x10;
	v24 =	vmul.f32 v24, v9;
	v25 =	vld [tilespmem:s18+$0xFFFFFFF0]  }
0x1e0: {  	v9 =	vshll.u32 v21, $0x10;
	v27 =	vld [tilespmem:s18+$0x0];
	v26 =	vmul.f32 v26, v22  }
0x1e1: {  	v20 =	vmul.f32 v20, v22;
	v28 =	vld.idx.msk [tilespmem:v1+s29+$0x0], $0xffff;
	v1 =	vmov v15  }
0x1e2: {  	v15 =	vshll.u32 v16, $0x10;
	[tilespmem:v13+s0+$0x0] =	vst.idx.add.f32.msk $0xffff, v26  }
0x1e3: {  	v26 =	vshll.u32 v23, $0x10;
	v15 =	vmul.f32 v15, v17;
	v16 =	vmul.f32 v16, v17;
	[tilespmem:v13+s5+$0x0] =	vst.idx.add.f32.msk $0xffff, v20  }
0x1e4: {  	v20 =	vmul.f32 v9, v25;
	v21 =	vmul.f32 v21, v25;
	v29 =	vld.idx.msk [tilespmem:v12+s26+$0x0], $0xffff;
	v9 =	vmov v17  }
0x1e5: {  	[tilespmem:v18+s0+$0x0] =	vst.idx.add.f32.msk $0xffff, v15;
	v15 =	vmul.f32 v26, v27;
	v17 =	vmul.f32 v23, v27  }
0x1e6: {  	[tilespmem:v18+s5+$0x0] =	vst.idx.add.f32.msk $0xffff, v16  }
0x1e7: {  	v16 =	vshll.u32 v28, $0x10;
	[tilespmem:v11+s0+$0x0] =	vst.idx.add.f32.msk $0xffff, v20;
	v20 =	vmul.f32 v28, v6  }
0x1e8: {  	v16 =	vmul.f32 v16, v6;
	v6 =	vmov v25;
	[tilespmem:v11+s5+$0x0] =	vst.idx.add.f32.msk $0xffff, v21  }
0x1e9: {  	[tilespmem:v10+s0+$0x0] =	vst.idx.add.f32.msk $0xffff, v15  }
0x1ea: {  	v15 =	vshll.u32 v29, $0x10;
	[tilespmem:v10+s5+$0x0] =	vst.idx.add.f32.msk $0xffff, v17  }
0x1eb: {  	v15 =	vmul.f32 v15, v22;
	v17 =	vld.idx.msk [tilespmem:v5+s26+$0x0], $0xffff  }
0x1ec: {  	v23 =	vmul.f32 v29, v22;
	v21 =	vld.idx.msk [tilespmem:v1+s26+$0x0], $0xffff  }
0x1ed: {  	[tilespmem:v13+s6+$0x0] =	vst.idx.add.f32.msk $0xffff, v15  }
0x1ee: {  	[tilespmem:v13+s7+$0x0] =	vst.idx.add.f32.msk $0xffff, v23  }
0x1ef: {  	v15 =	vld.idx.msk [tilespmem:v12+s28+$0x0], $0xffff  }
0x1f0: {  	v23 =	vld.idx.msk [tilespmem:v14+s26+$0x0], $0xffff  }
0x1f1: {  	v25 =	vshll.u32 v17, $0x10;
	v17 =	vmul.f32 v17, v9;
	v26 =	vld.idx.msk [tilespmem:v3+s29+$0x0], $0xffff;
	v3 =	vmov v14  }
0x1f2: {  	v14 =	vmul.f32 v25, v9;
	v25 =	vshll.u32 v21, $0x10;
	v21 =	vmul.f32 v21, v6;
	[tilespmem:v4+s10+$0x0] =	vst.idx.add.f32.msk $0xffff, v24  }
0x1f3: {  	v24 =	vmul.f32 v25, v6;
	[tilespmem:v4+s11+$0x0] =	vst.idx.add.f32.msk $0xffff, v19;
	v4 =	vmov v18  }
0x1f4: {  	[tilespmem:v18+s6+$0x0] =	vst.idx.add.f32.msk $0xffff, v14  }
0x1f5: {  	v14 =	vshll.u32 v15, $0x10;
	[tilespmem:v18+s7+$0x0] =	vst.idx.add.f32.msk $0xffff, v17  }
0x1f6: {  	v17 =	vshll.u32 v23, $0x10;
	v18 =	vmul.f32 v23, v27;
	v14 =	vmul.f32 v14, v22;
	[tilespmem:v11+s6+$0x0] =	vst.idx.add.f32.msk $0xffff, v24  }
0x1f7: {  	v15 =	vmul.f32 v15, v22;
	v17 =	vmul.f32 v17, v27;
	v19 =	vshll.u32 v26, $0x10;
	[tilespmem:v11+s7+$0x0] =	vst.idx.add.f32.msk $0xffff, v21  }
0x1f8: {  	[tilespmem:v13+s8+$0x0] =	vst.idx.add.f32.msk $0xffff, v14;
	v14 =	vmul.f32 v19, v7;
	v19 =	vmul.f32 v26, v7;
	v7 =	vmov v27  }
0x1f9: {  	[tilespmem:v13+s9+$0x0] =	vst.idx.add.f32.msk $0xffff, v15  }
0x1fa: {  	v12 =	vld.idx.msk [tilespmem:v12+s29+$0x0], $0xffff  }
0x1fb: {  	[tilespmem:v10+s6+$0x0] =	vst.idx.add.f32.msk $0xffff, v17  }
0x1fc: {  	[tilespmem:v10+s7+$0x0] =	vst.idx.add.f32.msk $0xffff, v18  }
0x1fd: {  	v15 =	vld.idx.msk [tilespmem:v5+s28+$0x0], $0xffff  }
0x1fe: {  	v17 =	vld.idx.msk [tilespmem:v1+s28+$0x0], $0xffff  }
0x1ff: {  	v18 =	vld.idx.msk [tilespmem:v3+s28+$0x0], $0xffff  }
0x200: {  	v21 =	vshll.u32 v12, $0x10;
	[tilespmem:v2+s10+$0x0] =	vst.idx.add.f32.msk $0xffff, v16  }
0x201: {  	v16 =	vmul.f32 v21, v22;
	[tilespmem:v2+s11+$0x0] =	vst.idx.add.f32.msk $0xffff, v20;
	v2 =	vmov v11  }
.Ltmp4:
0x202: {  	v12 =	vmul.f32 v12, v22;
	[tilespmem:v8+s10+$0x0] =	vst.idx.add.f32.msk $0xffff, v14;
	(pc) =	sbr.rel @p1 .LBB2_7-.Ltmp4, $4  }
0x203: {  	v14 =	vshll.u32 v15, $0x10;
	v11 =	vmul.f32 v15, v9;
	[tilespmem:v13+s10+$0x0] =	vst.idx.add.f32.msk $0xffff, v16  }
0x204: {  	v16 =	vmul.f32 v14, v9;
	v15 =	vshll.u32 v17, $0x10;
	v14 =	vmul.f32 v17, v6;
	[tilespmem:v13+s11+$0x0] =	vst.idx.add.f32.msk $0xffff, v12  }
0x205: {  	v15 =	vmul.f32 v15, v6;
	v12 =	vshll.u32 v18, $0x10;
	v13 =	vmul.f32 v18, v7;
	[tilespmem:v8+s11+$0x0] =	vst.idx.add.f32.msk $0xffff, v19  }
0x206: {  	s20 =	sadd.s32 $0x40, s20;
	v8 =	vmov v10;
	[tilespmem:v4+s8+$0x0] =	vst.idx.add.f32.msk $0xffff, v16;
	v16 =	vmul.f32 v12, v7  }
0x207: {  	_ =	sdelay $0x3  }
0x208: {  	[tilespmem:v4+s9+$0x0] =	vst.idx.add.f32.msk $0xffff, v11  }
0x209: {  	[tilespmem:v2+s8+$0x0] =	vst.idx.add.f32.msk $0xffff, v15  }
0x20a: {  	[tilespmem:v2+s9+$0x0] =	vst.idx.add.f32.msk $0xffff, v14  }
0x20b: {  	v5 =	vld.idx.msk [tilespmem:v5+s29+$0x0], $0xffff  }
0x20c: {  	[tilespmem:v8+s8+$0x0] =	vst.idx.add.f32.msk $0xffff, v16  }
0x20d: {  	v1 =	vld.idx.msk [tilespmem:v1+s29+$0x0], $0xffff  }
0x20e: {  	[tilespmem:v8+s9+$0x0] =	vst.idx.add.f32.msk $0xffff, v13  }
0x20f: {  	v3 =	vld.idx.msk [tilespmem:v3+s29+$0x0], $0xffff  }
0x210: {  	v10 =	vshll.u32 v5, $0x10  }
0x211: {  	v10 =	vmul.f32 v10, v9  }
0x212: {  	v5 =	vmul.f32 v5, v9;
	v59 =	vshll.u32 v1, $0x10  }
0x213: {  	v9 =	vmul.f32 v59, v6;
	[tilespmem:v4+s10+$0x0] =	vst.idx.add.f32.msk $0xffff, v10  }
0x214: {  	v1 =	vmul.f32 v1, v6;
	v60 =	vshll.u32 v3, $0x10;
	[tilespmem:v4+s11+$0x0] =	vst.idx.add.f32.msk $0xffff, v5  }
0x215: {  	v4 =	vmul.f32 v60, v7;
	[tilespmem:v2+s10+$0x0] =	vst.idx.add.f32.msk $0xffff, v9  }
0x216: {  	v3 =	vmul.f32 v3, v7;
	[tilespmem:v2+s11+$0x0] =	vst.idx.add.f32.msk $0xffff, v1  }
0x217: {  	[tilespmem:v8+s10+$0x0] =	vst.idx.add.f32.msk $0xffff, v4  }
0x218: {  	[tilespmem:v8+s11+$0x0] =	vst.idx.add.f32.msk $0xffff, v3  }
0x219: {  	v1 =	vld [tilespmem:$0x1F1C0];
	_ =	sdelay $0x4  }
0x21a: {  	v2 =	vshrl.u32 v1, $0x10;
	_ =	sdelay $0x4  }
0x21b: {  	v3 =	vld.idx.msk [tilespmem:v2+s3+$0x0], $0xffff  }
0x21c: {  	v4 =	vld [tilespmem:$0x1F9C0];
	_ =	sdelay $0x1  }
0x21d: {  	v1 =	vand.u32 $0xFFFF, v1;
	_ =	sdelay $0x1  }
0x21e: {  	v61 =	vshll.u32 v3, $0x10  }
0x21f: {  	v5 =	vmul.f32 v61, v4  }
0x220: {  	v3 =	vmul.f32 v3, v4  }
0x221: {  	[tilespmem:v1+s0+$0x0] =	vst.idx.add.f32.msk $0xffff, v5  }
0x222: {  	[tilespmem:v1+s5+$0x0] =	vst.idx.add.f32.msk $0xffff, v3  }
0x223: {  	v3 =	vld.idx.msk [tilespmem:v2+s26+$0x0], $0xffff;
	_ =	sdelay $0x4  }
0x224: {  	v62 =	vshll.u32 v3, $0x10  }
0x225: {  	v5 =	vmul.f32 v62, v4  }
0x226: {  	v3 =	vmul.f32 v3, v4  }
0x227: {  	[tilespmem:v1+s6+$0x0] =	vst.idx.add.f32.msk $0xffff, v5  }
0x228: {  	[tilespmem:v1+s7+$0x0] =	vst.idx.add.f32.msk $0xffff, v3  }
0x229: {  	v3 =	vld.idx.msk [tilespmem:v2+s28+$0x0], $0xffff;
	_ =	sdelay $0x4  }
0x22a: {  	v63 =	vshll.u32 v3, $0x10  }
0x22b: {  	v5 =	vmul.f32 v63, v4  }
0x22c: {  	v3 =	vmul.f32 v3, v4  }
0x22d: {  	[tilespmem:v1+s8+$0x0] =	vst.idx.add.f32.msk $0xffff, v5  }
0x22e: {  	[tilespmem:v1+s9+$0x0] =	vst.idx.add.f32.msk $0xffff, v3  }
0x22f: {  	v2 =	vld.idx.msk [tilespmem:v2+s29+$0x0], $0xffff;
	_ =	sdelay $0x4  }
.Ltmp5:
0x230: {  	v3 =	vshll.u32 v2, $0x10;
	(pc) =	sbr.rel @p0 .LBB2_10-.Ltmp5, $4  }
0x231: {  	v3 =	vmul.f32 v3, v4  }
0x232: {  	v2 =	vmul.f32 v2, v4  }
0x233: {  	[tilespmem:v1+s10+$0x0] =	vst.idx.add.f32.msk $0xffff, v3  }
0x234: {  	[tilespmem:v1+s11+$0x0] =	vst.idx.add.f32.msk $0xffff, v2  }
0x235: {  	s1 =	smul.u32 $0xFA0, s17;
	_ =	sdelay $0x1  }
0x236: {  	s1 =	sadd.s32 s1, s21  }
.Ltmp6:
0x237: {  	s1 =	sshrl.u32 s1, $0x3;
	(pc) =	sbr.rel .LBB2_4-.Ltmp6, $4  }
0x238: {  	s2 =	sadd.s32 s4, s1  }
0x239: {  	[tilespmem:s22], [sflag:$0x2] =	stream.linear.gather [hbm4b:s2+s3], $0x7D0, $0x38;
	[tilespmem:$0x1FA00] =	vst v63  }
0x23a: {  	s17 =	sadd.s32 $0x1, s17;
	s1 =	sadd.s32 s15, s1  }
0x23b: {  	[tilespmem:s23], [sflag:$0x2] =	stream.linear.gather [hbm4b:s1+s3], $0x7D0, $0x38;
	[tilespmem:$0x1FA00] =	vst v63  }
.LBB2_11:
0x23c: {  	_ =	sfence.sel $0x180000  }
0x23d: {  	[bflag:$0x0] =	sbarrier.arrive $0xFFFF  }
0x23e: {  	_ =	strace $0x90000047  }
0x23f: {  	s0 =	stileid.u32;
	[bflag:$0x2] =	sbarrier.arrive $0xFFFF  }
0x240: {  	p0 =	sne.s32 s0, $0x0;
	s0 =	rddreg [dreg:$0x3]  }
0x241: {  	s0 =	sadd.s32 @!p0 $0x100000, s0  }
0x242: {  	[sflag:s0] =	ssyncadd.tile.s32 @!p0 $0x1;
	_ =	shalt  }
.Lfunc_end2:
_tile_overlayer_lowered:
.L_overlay_start_2:
0x243: {  	(tag) =	ssettag $0x2  }
0x244: {  	s0 =	rddreg [dreg:$0x0];
	s2 =	stileid.u32  }
0x245: {  	s1 =	rddreg [dreg:$0x1];
	p0 =	sne.s32 s2, $0x0  }
0x246: {  	s3 =	rddreg [dreg:$0x2];
	[bflag:$0x3] =	sbarrier.arrive $0xFFFF;
	s2 =	simm.s32 @!p0 $0x1C03  }
0x247: {  	[timem:s3], [sflag:s2] =	dma.local @!p0 [hbm:s0], s1  }
0x248: {  	s0 =	simm.s32 @!p0 $0x3  }
0x249: {  	_ =	swait.ge @!p0 [sflag:s0], s1  }
0x24a: {  	s1 =	ssub.s32 @!p0 $0x0, s1;
	[sflag:s0] =	ssyncset.done @!p0 $0x0  }
0x24b: {  	[sflag:s0] =	ssyncadd.s32 @!p0 s1  }
0x24c: {  	[bflag:$0x3] =	sbarrier.arrive $0xFFFF  }
0x24d: {  	_ =	shalt  }

</sc_bundles>
